<compile_context>
chip_gen: v7x
topology: tpu7x:2x2x1
jax: 0.10.2.dev20260603
libtpu: 0.0.44.dev20260713+nightly
codegen_flags: <defaults>
</compile_context>

<pallas_src>
import jax
import jax.numpy as jnp
from jax import lax
from jax.experimental import pallas as pl
from jax.experimental.pallas import tpu as pltpu
from jax.experimental.pallas import tpu_sc as plsc

B, L, H = 4096, 200, 64
BL = B * L
NC, NS = 2, 16
NW = NC * NS
PER_W = BL // NW
CHUNK = 128
NCHUNK = PER_W // CHUNK
K = NCHUNK // 2


NBUF = 8


def _body(x_hbm, tab_hbm, out_hbm, idx_all, *bufsem):
    bufs = bufsem[:NBUF]
    sg = bufsem[NBUF:2 * NBUF]
    sw = bufsem[2 * NBUF:]
    wid = lax.axis_index("s") * NC + lax.axis_index("c")
    base = wid * PER_W

    pltpu.sync_copy(x_hbm.at[pl.ds(base, PER_W)], idx_all.at[0])

    def gather(c, buf, sem):
        pltpu.async_copy(tab_hbm.at[idx_all.at[0, pl.ds(c * CHUNK, CHUNK)]],
                         buf, sem)

    def gather_wait(c, buf, sem):
        pltpu.make_async_copy(
            tab_hbm.at[idx_all.at[0, pl.ds(c * CHUNK, CHUNK)]],
            buf, sem).wait()

    def write(c, buf, sem):
        pltpu.async_copy(buf, out_hbm.at[pl.ds(base + c * CHUNK, CHUNK)], sem)

    def write_wait(c, buf, sem):
        pltpu.make_async_copy(
            buf, out_hbm.at[pl.ds(base + c * CHUNK, CHUNK)], sem).wait()

    def round_body(k, carry):
        c0 = NBUF * k

        @pl.when(k >= 1)
        def _():
            for j in range(NBUF):
                write_wait(c0 - NBUF + j, bufs[j], sw[j])
        for j in range(NBUF):
            gather(c0 + j, bufs[j], sg[j])
        for j in range(NBUF):
            gather_wait(c0 + j, bufs[j], sg[j])
            write(c0 + j, bufs[j], sw[j])
        return carry

    lax.fori_loop(0, NCHUNK // NBUF, round_body, 0)
    for j in range(NBUF):
        write_wait(NCHUNK - NBUF + j, bufs[j], sw[j])


def kernel(x, embed_table, pos_table):
    xf = x.reshape(BL)
    mesh = plsc.VectorSubcoreMesh(core_axis_name="c", subcore_axis_name="s")
    tok = pl.kernel(
        _body,
        out_type=jax.ShapeDtypeStruct((BL, H), jnp.float32),
        mesh=mesh,
        compiler_params=pltpu.CompilerParams(use_tc_tiling_on_sc=False,
                                             needs_layout_passes=False),
        scratch_types=(
            [pltpu.VMEM((1, PER_W), jnp.int32)]
            + [pltpu.VMEM((CHUNK, H), jnp.float32)] * NBUF
            + [pltpu.SemaphoreType.DMA] * (2 * NBUF)
        ),
    )(xf, embed_table)
    return tok.reshape(B, L, H) + pos_table[None, :, :]

# --- scband reference (transcript-rebuilt; emitter-appended) ---
"""Pipeline reference for scband-token-embedding-25280177504387 (READ-ONLY COPY).

The authoritative reference and input builder live on the scoring server;
editing this copy changes nothing except your own understanding.
"""

import jax, jax.numpy as jnp
import numpy as np

NUM_VOCAB = 1000000
MAX_LEN = 200
NUM_HIDDEN = 64
BATCH = 4096
SEQ = 200

def setup_inputs(seed: int = 0) -> dict:
    key = jax.random.key(seed)
    k1, k2, k3 = jax.random.split(key, 3)
    x = jax.random.randint(k1, (BATCH, SEQ), 0, NUM_VOCAB, dtype=jnp.int32)
    embed_table = jax.random.normal(k2, (NUM_VOCAB, NUM_HIDDEN), dtype=jnp.float32) * 0.02
    pos_table = jax.random.normal(k3, (MAX_LEN, NUM_HIDDEN), dtype=jnp.float32) * 0.02
    return {"x": x, "embed_table": embed_table, "pos_table": pos_table}

def reference(x, embed_table, pos_table):
    # token embedding lookup: gather rows of embed_table by x
    tok = jnp.take(embed_table, x, axis=0)  # [B, L, H]
    # positional embedding: positions 0..L-1 gathered from pos_table
    seq_len = x.shape[-1]
    positions = jnp.arange(0, seq_len, 1)
    pos = jnp.take(pos_table, positions, axis=0)  # [L, H]
    return tok + pos  # broadcast add over batch

if __name__ == "__main__":
    import jax
    _d = setup_inputs()
    print(jax.jit(kernel)(*tuple(_d.values())))

</pallas_src>

<mosaic_0001>
#map = affine_map<(d0, d1) -> (0)>
#map1 = affine_map<(d0, d1) -> (0, 0)>
module attributes {stable_mosaic.version = 14 : i64} {
  func.func @_body(%arg0: i32, %arg1: i32, %arg2: memref<819200xi32, #tpu.memory_space<hbm>>, %arg3: memref<1000000x64xf32, #tpu.memory_space<hbm>>, %arg4: memref<819200x64xf32, #tpu.memory_space<hbm>>, %arg5: memref<1x25600xi32, #tpu.memory_space<vmem>>, %arg6: memref<128x64xf32, #tpu.memory_space<vmem>>, %arg7: memref<128x64xf32, #tpu.memory_space<vmem>>, %arg8: memref<128x64xf32, #tpu.memory_space<vmem>>, %arg9: memref<128x64xf32, #tpu.memory_space<vmem>>, %arg10: memref<128x64xf32, #tpu.memory_space<vmem>>, %arg11: memref<128x64xf32, #tpu.memory_space<vmem>>, %arg12: memref<128x64xf32, #tpu.memory_space<vmem>>, %arg13: memref<128x64xf32, #tpu.memory_space<vmem>>, %arg14: memref<!tpu.dma_semaphore, #tpu.memory_space<semaphore_mem>>, %arg15: memref<!tpu.dma_semaphore, #tpu.memory_space<semaphore_mem>>, %arg16: memref<!tpu.dma_semaphore, #tpu.memory_space<semaphore_mem>>, %arg17: memref<!tpu.dma_semaphore, #tpu.memory_space<semaphore_mem>>, %arg18: memref<!tpu.dma_semaphore, #tpu.memory_space<semaphore_mem>>, %arg19: memref<!tpu.dma_semaphore, #tpu.memory_space<semaphore_mem>>, %arg20: memref<!tpu.dma_semaphore, #tpu.memory_space<semaphore_mem>>, %arg21: memref<!tpu.dma_semaphore, #tpu.memory_space<semaphore_mem>>, %arg22: memref<!tpu.dma_semaphore, #tpu.memory_space<semaphore_mem>>, %arg23: memref<!tpu.dma_semaphore, #tpu.memory_space<semaphore_mem>>, %arg24: memref<!tpu.dma_semaphore, #tpu.memory_space<semaphore_mem>>, %arg25: memref<!tpu.dma_semaphore, #tpu.memory_space<semaphore_mem>>, %arg26: memref<!tpu.dma_semaphore, #tpu.memory_space<semaphore_mem>>, %arg27: memref<!tpu.dma_semaphore, #tpu.memory_space<semaphore_mem>>, %arg28: memref<!tpu.dma_semaphore, #tpu.memory_space<semaphore_mem>>, %arg29: memref<!tpu.dma_semaphore, #tpu.memory_space<semaphore_mem>>) attributes {dimension_semantics = [#tpu.dimension_semantics<core_parallel>, #tpu.dimension_semantics<subcore_parallel>], iteration_bounds = array<i64: 2, 16>, scalar_prefetch = 0 : i64, scratch_operands = 25 : i64, tpu.core_type = #tpu.core_type<sc_vector_subcore>, window_params = [{transform_indices = #map}, {transform_indices = #map1}, {transform_indices = #map1}]} {
    %mul3A = arith.constant 2 : i32
    %mul3A_0 = arith.muli %arg1, %mul3A : i32
    %add3A = arith.addi %mul3A_0, %arg0 : i32
    %mul3A_1 = arith.constant 25600 : i32
    %mul3A_2 = arith.muli %add3A, %mul3A_1 : i32
    %run_scoped3A = arith.constant 0 : i32
    "tpu.region"() ({
      %run_scoped3A_55 = tpu.sem_alloc : memref<!tpu.dma_semaphore, #tpu.memory_space<semaphore_mem>>
      %dma_start3A = arith.constant 0 : i32
      %dma_start3A_56 = tpu.memref_slice %arg5[%run_scoped3A, %dma_start3A] : memref<1x25600xi32, #tpu.memory_space<vmem>> -> memref<1x25600xi32, #tpu.memory_space<vmem>>
      %dma_start3A_57 = tpu.memref_squeeze %dma_start3A_56 : memref<1x25600xi32, #tpu.memory_space<vmem>> -> memref<25600xi32, #tpu.memory_space<vmem>>
      %dma_start3A_58 = tpu.memref_slice %arg2[%mul3A_2] : memref<819200xi32, #tpu.memory_space<hbm>> -> memref<25600xi32, #tpu.memory_space<hbm>>
      %dma_start3A_59 = arith.constant 0 : i32
      %dma_start3A_60 = tpu.memref_slice %arg5[%run_scoped3A, %dma_start3A_59] : memref<1x25600xi32, #tpu.memory_space<vmem>> -> memref<1x25600xi32, #tpu.memory_space<vmem>>
      %dma_start3A_61 = tpu.memref_squeeze %dma_start3A_60 : memref<1x25600xi32, #tpu.memory_space<vmem>> -> memref<25600xi32, #tpu.memory_space<vmem>>
      %dma_start3A_62 = tpu.memref_slice %arg2[%mul3A_2] : memref<819200xi32, #tpu.memory_space<hbm>> -> memref<25600xi32, #tpu.memory_space<hbm>>
      tpu.enqueue_dma source(%dma_start3A_62 : memref<25600xi32, #tpu.memory_space<hbm>>) target(%dma_start3A_61 : memref<25600xi32, #tpu.memory_space<vmem>>) target_semaphore(%run_scoped3A_55 : memref<!tpu.dma_semaphore, #tpu.memory_space<semaphore_mem>>)
      %dma_wait3A_63 = arith.constant 0 : i32
      %dma_wait3A_64 = tpu.memref_slice %arg5[%run_scoped3A, %dma_wait3A_63] : memref<1x25600xi32, #tpu.memory_space<vmem>> -> memref<1x25600xi32, #tpu.memory_space<vmem>>
      %dma_wait3A_65 = tpu.memref_squeeze %dma_wait3A_64 : memref<1x25600xi32, #tpu.memory_space<vmem>> -> memref<25600xi32, #tpu.memory_space<vmem>>
      %dma_wait3A_66 = tpu.memref_slice %arg2[%mul3A_2] : memref<819200xi32, #tpu.memory_space<hbm>> -> memref<25600xi32, #tpu.memory_space<hbm>>
      %dma_wait3A_67 = arith.constant 0 : i32
      %dma_wait3A_68 = tpu.memref_slice %arg5[%run_scoped3A, %dma_wait3A_67] : memref<1x25600xi32, #tpu.memory_space<vmem>> -> memref<1x25600xi32, #tpu.memory_space<vmem>>
      %dma_wait3A_69 = tpu.memref_squeeze %dma_wait3A_68 : memref<1x25600xi32, #tpu.memory_space<vmem>> -> memref<25600xi32, #tpu.memory_space<vmem>>
      %dma_wait3A_70 = tpu.memref_slice %arg2[%mul3A_2] : memref<819200xi32, #tpu.memory_space<hbm>> -> memref<25600xi32, #tpu.memory_space<hbm>>
      tpu.wait_dma2 semaphore(%run_scoped3A_55 : memref<!tpu.dma_semaphore, #tpu.memory_space<semaphore_mem>>) src(%dma_wait3A_70 : memref<25600xi32, #tpu.memory_space<hbm>>) dst(%dma_wait3A_69 : memref<25600xi32, #tpu.memory_space<vmem>>)
      tpu.yield
    }) : () -> ()
    %scan3A = arith.constant 0 : i32
    %scan3A_3 = arith.constant 0 : i32
    %scan3A_4 = arith.constant 25 : i32
    %scan3A_5 = arith.addi %scan3A_3, %scan3A_4 : i32
    %scan3A_6 = arith.constant 1 : i32
    scf.for %scan3A_55 = %scan3A_3 to %scan3A_5 step %scan3A_6  : i32 {
      %mul3A_56 = arith.constant 8 : i32
      %mul3A_57 = arith.muli %mul3A_56, %scan3A_55 : i32
      %ge3A = arith.constant 1 : i32
      %ge3A_58 = arith.cmpi sge, %scan3A_55, %ge3A : i32
      %convert_element_type3A = arith.extui %ge3A_58 : i1 to i32
      %cond3A = arith.constant 0 : i32
      %cond3A_59 = arith.cmpi ne, %convert_element_type3A, %cond3A : i32
      scf.if %cond3A_59 {
        %sub3A = arith.constant 8 : i32
        %sub3A_291 = arith.subi %mul3A_57, %sub3A : i32
        %add3A_292 = arith.constant 0 : i32
        %add3A_293 = arith.addi %sub3A_291, %add3A_292 : i32
        %mul3A_294 = arith.constant 128 : i32
        %mul3A_295 = arith.muli %add3A_293, %mul3A_294 : i32
        %add3A_296 = arith.addi %mul3A_2, %mul3A_295 : i32
        %dma_wait3A_297 = arith.constant 0 : i32
        %dma_wait3A_298 = tpu.memref_slice %arg4[%add3A_296, %dma_wait3A_297] : memref<819200x64xf32, #tpu.memory_space<hbm>> -> memref<128x64xf32, #tpu.memory_space<hbm>>
        %dma_wait3A_299 = arith.constant 0 : i32
        %dma_wait3A_300 = tpu.memref_slice %arg4[%add3A_296, %dma_wait3A_299] : memref<819200x64xf32, #tpu.memory_space<hbm>> -> memref<128x64xf32, #tpu.memory_space<hbm>>
        tpu.wait_dma2 semaphore(%arg22 : memref<!tpu.dma_semaphore, #tpu.memory_space<semaphore_mem>>) src(%arg6 : memref<128x64xf32, #tpu.memory_space<vmem>>) dst(%dma_wait3A_300 : memref<128x64xf32, #tpu.memory_space<hbm>>)
        %sub3A_301 = arith.constant 8 : i32
        %sub3A_302 = arith.subi %mul3A_57, %sub3A_301 : i32
        %add3A_303 = arith.constant 1 : i32
        %add3A_304 = arith.addi %sub3A_302, %add3A_303 : i32
        %mul3A_305 = arith.constant 128 : i32
        %mul3A_306 = arith.muli %add3A_304, %mul3A_305 : i32
        %add3A_307 = arith.addi %mul3A_2, %mul3A_306 : i32
        %dma_wait3A_308 = arith.constant 0 : i32
        %dma_wait3A_309 = tpu.memref_slice %arg4[%add3A_307, %dma_wait3A_308] : memref<819200x64xf32, #tpu.memory_space<hbm>> -> memref<128x64xf32, #tpu.memory_space<hbm>>
        %dma_wait3A_310 = arith.constant 0 : i32
        %dma_wait3A_311 = tpu.memref_slice %arg4[%add3A_307, %dma_wait3A_310] : memref<819200x64xf32, #tpu.memory_space<hbm>> -> memref<128x64xf32, #tpu.memory_space<hbm>>
        tpu.wait_dma2 semaphore(%arg23 : memref<!tpu.dma_semaphore, #tpu.memory_space<semaphore_mem>>) src(%arg7 : memref<128x64xf32, #tpu.memory_space<vmem>>) dst(%dma_wait3A_311 : memref<128x64xf32, #tpu.memory_space<hbm>>)
        %sub3A_312 = arith.constant 8 : i32
        %sub3A_313 = arith.subi %mul3A_57, %sub3A_312 : i32
        %add3A_314 = arith.constant 2 : i32
        %add3A_315 = arith.addi %sub3A_313, %add3A_314 : i32
        %mul3A_316 = arith.constant 128 : i32
        %mul3A_317 = arith.muli %add3A_315, %mul3A_316 : i32
        %add3A_318 = arith.addi %mul3A_2, %mul3A_317 : i32
        %dma_wait3A_319 = arith.constant 0 : i32
        %dma_wait3A_320 = tpu.memref_slice %arg4[%add3A_318, %dma_wait3A_319] : memref<819200x64xf32, #tpu.memory_space<hbm>> -> memref<128x64xf32, #tpu.memory_space<hbm>>
        %dma_wait3A_321 = arith.constant 0 : i32
        %dma_wait3A_322 = tpu.memref_slice %arg4[%add3A_318, %dma_wait3A_321] : memref<819200x64xf32, #tpu.memory_space<hbm>> -> memref<128x64xf32, #tpu.memory_space<hbm>>
        tpu.wait_dma2 semaphore(%arg24 : memref<!tpu.dma_semaphore, #tpu.memory_space<semaphore_mem>>) src(%arg8 : memref<128x64xf32, #tpu.memory_space<vmem>>) dst(%dma_wait3A_322 : memref<128x64xf32, #tpu.memory_space<hbm>>)
        %sub3A_323 = arith.constant 8 : i32
        %sub3A_324 = arith.subi %mul3A_57, %sub3A_323 : i32
        %add3A_325 = arith.constant 3 : i32
        %add3A_326 = arith.addi %sub3A_324, %add3A_325 : i32
        %mul3A_327 = arith.constant 128 : i32
        %mul3A_328 = arith.muli %add3A_326, %mul3A_327 : i32
        %add3A_329 = arith.addi %mul3A_2, %mul3A_328 : i32
        %dma_wait3A_330 = arith.constant 0 : i32
        %dma_wait3A_331 = tpu.memref_slice %arg4[%add3A_329, %dma_wait3A_330] : memref<819200x64xf32, #tpu.memory_space<hbm>> -> memref<128x64xf32, #tpu.memory_space<hbm>>
        %dma_wait3A_332 = arith.constant 0 : i32
        %dma_wait3A_333 = tpu.memref_slice %arg4[%add3A_329, %dma_wait3A_332] : memref<819200x64xf32, #tpu.memory_space<hbm>> -> memref<128x64xf32, #tpu.memory_space<hbm>>
        tpu.wait_dma2 semaphore(%arg25 : memref<!tpu.dma_semaphore, #tpu.memory_space<semaphore_mem>>) src(%arg9 : memref<128x64xf32, #tpu.memory_space<vmem>>) dst(%dma_wait3A_333 : memref<128x64xf32, #tpu.memory_space<hbm>>)
        %sub3A_334 = arith.constant 8 : i32
        %sub3A_335 = arith.subi %mul3A_57, %sub3A_334 : i32
        %add3A_336 = arith.constant 4 : i32
        %add3A_337 = arith.addi %sub3A_335, %add3A_336 : i32
        %mul3A_338 = arith.constant 128 : i32
        %mul3A_339 = arith.muli %add3A_337, %mul3A_338 : i32
        %add3A_340 = arith.addi %mul3A_2, %mul3A_339 : i32
        %dma_wait3A_341 = arith.constant 0 : i32
        %dma_wait3A_342 = tpu.memref_slice %arg4[%add3A_340, %dma_wait3A_341] : memref<819200x64xf32, #tpu.memory_space<hbm>> -> memref<128x64xf32, #tpu.memory_space<hbm>>
        %dma_wait3A_343 = arith.constant 0 : i32
        %dma_wait3A_344 = tpu.memref_slice %arg4[%add3A_340, %dma_wait3A_343] : memref<819200x64xf32, #tpu.memory_space<hbm>> -> memref<128x64xf32, #tpu.memory_space<hbm>>
        tpu.wait_dma2 semaphore(%arg26 : memref<!tpu.dma_semaphore, #tpu.memory_space<semaphore_mem>>) src(%arg10 : memref<128x64xf32, #tpu.memory_space<vmem>>) dst(%dma_wait3A_344 : memref<128x64xf32, #tpu.memory_space<hbm>>)
        %sub3A_345 = arith.constant 8 : i32
        %sub3A_346 = arith.subi %mul3A_57, %sub3A_345 : i32
        %add3A_347 = arith.constant 5 : i32
        %add3A_348 = arith.addi %sub3A_346, %add3A_347 : i32
        %mul3A_349 = arith.constant 128 : i32
        %mul3A_350 = arith.muli %add3A_348, %mul3A_349 : i32
        %add3A_351 = arith.addi %mul3A_2, %mul3A_350 : i32
        %dma_wait3A_352 = arith.constant 0 : i32
        %dma_wait3A_353 = tpu.memref_slice %arg4[%add3A_351, %dma_wait3A_352] : memref<819200x64xf32, #tpu.memory_space<hbm>> -> memref<128x64xf32, #tpu.memory_space<hbm>>
        %dma_wait3A_354 = arith.constant 0 : i32
        %dma_wait3A_355 = tpu.memref_slice %arg4[%add3A_351, %dma_wait3A_354] : memref<819200x64xf32, #tpu.memory_space<hbm>> -> memref<128x64xf32, #tpu.memory_space<hbm>>
        tpu.wait_dma2 semaphore(%arg27 : memref<!tpu.dma_semaphore, #tpu.memory_space<semaphore_mem>>) src(%arg11 : memref<128x64xf32, #tpu.memory_space<vmem>>) dst(%dma_wait3A_355 : memref<128x64xf32, #tpu.memory_space<hbm>>)
        %sub3A_356 = arith.constant 8 : i32
        %sub3A_357 = arith.subi %mul3A_57, %sub3A_356 : i32
        %add3A_358 = arith.constant 6 : i32
        %add3A_359 = arith.addi %sub3A_357, %add3A_358 : i32
        %mul3A_360 = arith.constant 128 : i32
        %mul3A_361 = arith.muli %add3A_359, %mul3A_360 : i32
        %add3A_362 = arith.addi %mul3A_2, %mul3A_361 : i32
        %dma_wait3A_363 = arith.constant 0 : i32
        %dma_wait3A_364 = tpu.memref_slice %arg4[%add3A_362, %dma_wait3A_363] : memref<819200x64xf32, #tpu.memory_space<hbm>> -> memref<128x64xf32, #tpu.memory_space<hbm>>
        %dma_wait3A_365 = arith.constant 0 : i32
        %dma_wait3A_366 = tpu.memref_slice %arg4[%add3A_362, %dma_wait3A_365] : memref<819200x64xf32, #tpu.memory_space<hbm>> -> memref<128x64xf32, #tpu.memory_space<hbm>>
        tpu.wait_dma2 semaphore(%arg28 : memref<!tpu.dma_semaphore, #tpu.memory_space<semaphore_mem>>) src(%arg12 : memref<128x64xf32, #tpu.memory_space<vmem>>) dst(%dma_wait3A_366 : memref<128x64xf32, #tpu.memory_space<hbm>>)
        %sub3A_367 = arith.constant 8 : i32
        %sub3A_368 = arith.subi %mul3A_57, %sub3A_367 : i32
        %add3A_369 = arith.constant 7 : i32
        %add3A_370 = arith.addi %sub3A_368, %add3A_369 : i32
        %mul3A_371 = arith.constant 128 : i32
        %mul3A_372 = arith.muli %add3A_370, %mul3A_371 : i32
        %add3A_373 = arith.addi %mul3A_2, %mul3A_372 : i32
        %dma_wait3A_374 = arith.constant 0 : i32
        %dma_wait3A_375 = tpu.memref_slice %arg4[%add3A_373, %dma_wait3A_374] : memref<819200x64xf32, #tpu.memory_space<hbm>> -> memref<128x64xf32, #tpu.memory_space<hbm>>
        %dma_wait3A_376 = arith.constant 0 : i32
        %dma_wait3A_377 = tpu.memref_slice %arg4[%add3A_373, %dma_wait3A_376] : memref<819200x64xf32, #tpu.memory_space<hbm>> -> memref<128x64xf32, #tpu.memory_space<hbm>>
        tpu.wait_dma2 semaphore(%arg29 : memref<!tpu.dma_semaphore, #tpu.memory_space<semaphore_mem>>) src(%arg13 : memref<128x64xf32, #tpu.memory_space<vmem>>) dst(%dma_wait3A_377 : memref<128x64xf32, #tpu.memory_space<hbm>>)
      } else {
      }
      %add3A_60 = arith.constant 0 : i32
      %add3A_61 = arith.addi %mul3A_57, %add3A_60 : i32
      %mul3A_62 = arith.constant 128 : i32
      %mul3A_63 = arith.muli %add3A_61, %mul3A_62 : i32
      %dma_start3A = arith.constant 0 : i32
      %dma_start3A_64 = tpu.memref_slice %arg5[%dma_start3A, %mul3A_63] : memref<1x25600xi32, #tpu.memory_space<vmem>> -> memref<1x128xi32, #tpu.memory_space<vmem>>
      %dma_start3A_65 = tpu.memref_squeeze %dma_start3A_64 : memref<1x128xi32, #tpu.memory_space<vmem>> -> memref<128xi32, #tpu.memory_space<vmem>>
      %dma_start3A_66 = arith.constant 0 : i32
      %dma_start3A_67 = arith.constant 0 : i32
      %dma_start3A_68 = tpu.memref_slice %arg3[%dma_start3A_66, %dma_start3A_67] : memref<1000000x64xf32, #tpu.memory_space<hbm>> -> memref<1000000x64xf32, #tpu.memory_space<hbm>>
      tpu.enqueue_indirect_dma source(%dma_start3A_68 : memref<1000000x64xf32, #tpu.memory_space<hbm>>) target(%arg6 : memref<128x64xf32, #tpu.memory_space<vmem>>) offsets(%dma_start3A_65 : memref<128xi32, #tpu.memory_space<vmem>>) semaphore(%arg14 : memref<!tpu.dma_semaphore, #tpu.memory_space<semaphore_mem>>)
      %add3A_69 = arith.constant 1 : i32
      %add3A_70 = arith.addi %mul3A_57, %add3A_69 : i32
      %mul3A_71 = arith.constant 128 : i32
      %mul3A_72 = arith.muli %add3A_70, %mul3A_71 : i32
      %dma_start3A_73 = arith.constant 0 : i32
      %dma_start3A_74 = tpu.memref_slice %arg5[%dma_start3A_73, %mul3A_72] : memref<1x25600xi32, #tpu.memory_space<vmem>> -> memref<1x128xi32, #tpu.memory_space<vmem>>
      %dma_start3A_75 = tpu.memref_squeeze %dma_start3A_74 : memref<1x128xi32, #tpu.memory_space<vmem>> -> memref<128xi32, #tpu.memory_space<vmem>>
      %dma_start3A_76 = arith.constant 0 : i32
      %dma_start3A_77 = arith.constant 0 : i32
      %dma_start3A_78 = tpu.memref_slice %arg3[%dma_start3A_76, %dma_start3A_77] : memref<1000000x64xf32, #tpu.memory_space<hbm>> -> memref<1000000x64xf32, #tpu.memory_space<hbm>>
      tpu.enqueue_indirect_dma source(%dma_start3A_78 : memref<1000000x64xf32, #tpu.memory_space<hbm>>) target(%arg7 : memref<128x64xf32, #tpu.memory_space<vmem>>) offsets(%dma_start3A_75 : memref<128xi32, #tpu.memory_space<vmem>>) semaphore(%arg15 : memref<!tpu.dma_semaphore, #tpu.memory_space<semaphore_mem>>)
      %add3A_79 = arith.constant 2 : i32
      %add3A_80 = arith.addi %mul3A_57, %add3A_79 : i32
      %mul3A_81 = arith.constant 128 : i32
      %mul3A_82 = arith.muli %add3A_80, %mul3A_81 : i32
      %dma_start3A_83 = arith.constant 0 : i32
      %dma_start3A_84 = tpu.memref_slice %arg5[%dma_start3A_83, %mul3A_82] : memref<1x25600xi32, #tpu.memory_space<vmem>> -> memref<1x128xi32, #tpu.memory_space<vmem>>
      %dma_start3A_85 = tpu.memref_squeeze %dma_start3A_84 : memref<1x128xi32, #tpu.memory_space<vmem>> -> memref<128xi32, #tpu.memory_space<vmem>>
      %dma_start3A_86 = arith.constant 0 : i32
      %dma_start3A_87 = arith.constant 0 : i32
      %dma_start3A_88 = tpu.memref_slice %arg3[%dma_start3A_86, %dma_start3A_87] : memref<1000000x64xf32, #tpu.memory_space<hbm>> -> memref<1000000x64xf32, #tpu.memory_space<hbm>>
      tpu.enqueue_indirect_dma source(%dma_start3A_88 : memref<1000000x64xf32, #tpu.memory_space<hbm>>) target(%arg8 : memref<128x64xf32, #tpu.memory_space<vmem>>) offsets(%dma_start3A_85 : memref<128xi32, #tpu.memory_space<vmem>>) semaphore(%arg16 : memref<!tpu.dma_semaphore, #tpu.memory_space<semaphore_mem>>)
      %add3A_89 = arith.constant 3 : i32
      %add3A_90 = arith.addi %mul3A_57, %add3A_89 : i32
      %mul3A_91 = arith.constant 128 : i32
      %mul3A_92 = arith.muli %add3A_90, %mul3A_91 : i32
      %dma_start3A_93 = arith.constant 0 : i32
      %dma_start3A_94 = tpu.memref_slice %arg5[%dma_start3A_93, %mul3A_92] : memref<1x25600xi32, #tpu.memory_space<vmem>> -> memref<1x128xi32, #tpu.memory_space<vmem>>
      %dma_start3A_95 = tpu.memref_squeeze %dma_start3A_94 : memref<1x128xi32, #tpu.memory_space<vmem>> -> memref<128xi32, #tpu.memory_space<vmem>>
      %dma_start3A_96 = arith.constant 0 : i32
      %dma_start3A_97 = arith.constant 0 : i32
      %dma_start3A_98 = tpu.memref_slice %arg3[%dma_start3A_96, %dma_start3A_97] : memref<1000000x64xf32, #tpu.memory_space<hbm>> -> memref<1000000x64xf32, #tpu.memory_space<hbm>>
      tpu.enqueue_indirect_dma source(%dma_start3A_98 : memref<1000000x64xf32, #tpu.memory_space<hbm>>) target(%arg9 : memref<128x64xf32, #tpu.memory_space<vmem>>) offsets(%dma_start3A_95 : memref<128xi32, #tpu.memory_space<vmem>>) semaphore(%arg17 : memref<!tpu.dma_semaphore, #tpu.memory_space<semaphore_mem>>)
      %add3A_99 = arith.constant 4 : i32
      %add3A_100 = arith.addi %mul3A_57, %add3A_99 : i32
      %mul3A_101 = arith.constant 128 : i32
      %mul3A_102 = arith.muli %add3A_100, %mul3A_101 : i32
      %dma_start3A_103 = arith.constant 0 : i32
      %dma_start3A_104 = tpu.memref_slice %arg5[%dma_start3A_103, %mul3A_102] : memref<1x25600xi32, #tpu.memory_space<vmem>> -> memref<1x128xi32, #tpu.memory_space<vmem>>
      %dma_start3A_105 = tpu.memref_squeeze %dma_start3A_104 : memref<1x128xi32, #tpu.memory_space<vmem>> -> memref<128xi32, #tpu.memory_space<vmem>>
      %dma_start3A_106 = arith.constant 0 : i32
      %dma_start3A_107 = arith.constant 0 : i32
      %dma_start3A_108 = tpu.memref_slice %arg3[%dma_start3A_106, %dma_start3A_107] : memref<1000000x64xf32, #tpu.memory_space<hbm>> -> memref<1000000x64xf32, #tpu.memory_space<hbm>>
      tpu.enqueue_indirect_dma source(%dma_start3A_108 : memref<1000000x64xf32, #tpu.memory_space<hbm>>) target(%arg10 : memref<128x64xf32, #tpu.memory_space<vmem>>) offsets(%dma_start3A_105 : memref<128xi32, #tpu.memory_space<vmem>>) semaphore(%arg18 : memref<!tpu.dma_semaphore, #tpu.memory_space<semaphore_mem>>)
      %add3A_109 = arith.constant 5 : i32
      %add3A_110 = arith.addi %mul3A_57, %add3A_109 : i32
      %mul3A_111 = arith.constant 128 : i32
      %mul3A_112 = arith.muli %add3A_110, %mul3A_111 : i32
      %dma_start3A_113 = arith.constant 0 : i32
      %dma_start3A_114 = tpu.memref_slice %arg5[%dma_start3A_113, %mul3A_112] : memref<1x25600xi32, #tpu.memory_space<vmem>> -> memref<1x128xi32, #tpu.memory_space<vmem>>
      %dma_start3A_115 = tpu.memref_squeeze %dma_start3A_114 : memref<1x128xi32, #tpu.memory_space<vmem>> -> memref<128xi32, #tpu.memory_space<vmem>>
      %dma_start3A_116 = arith.constant 0 : i32
      %dma_start3A_117 = arith.constant 0 : i32
      %dma_start3A_118 = tpu.memref_slice %arg3[%dma_start3A_116, %dma_start3A_117] : memref<1000000x64xf32, #tpu.memory_space<hbm>> -> memref<1000000x64xf32, #tpu.memory_space<hbm>>
      tpu.enqueue_indirect_dma source(%dma_start3A_118 : memref<1000000x64xf32, #tpu.memory_space<hbm>>) target(%arg11 : memref<128x64xf32, #tpu.memory_space<vmem>>) offsets(%dma_start3A_115 : memref<128xi32, #tpu.memory_space<vmem>>) semaphore(%arg19 : memref<!tpu.dma_semaphore, #tpu.memory_space<semaphore_mem>>)
      %add3A_119 = arith.constant 6 : i32
      %add3A_120 = arith.addi %mul3A_57, %add3A_119 : i32
      %mul3A_121 = arith.constant 128 : i32
      %mul3A_122 = arith.muli %add3A_120, %mul3A_121 : i32
      %dma_start3A_123 = arith.constant 0 : i32
      %dma_start3A_124 = tpu.memref_slice %arg5[%dma_start3A_123, %mul3A_122] : memref<1x25600xi32, #tpu.memory_space<vmem>> -> memref<1x128xi32, #tpu.memory_space<vmem>>
      %dma_start3A_125 = tpu.memref_squeeze %dma_start3A_124 : memref<1x128xi32, #tpu.memory_space<vmem>> -> memref<128xi32, #tpu.memory_space<vmem>>
      %dma_start3A_126 = arith.constant 0 : i32
      %dma_start3A_127 = arith.constant 0 : i32
      %dma_start3A_128 = tpu.memref_slice %arg3[%dma_start3A_126, %dma_start3A_127] : memref<1000000x64xf32, #tpu.memory_space<hbm>> -> memref<1000000x64xf32, #tpu.memory_space<hbm>>
      tpu.enqueue_indirect_dma source(%dma_start3A_128 : memref<1000000x64xf32, #tpu.memory_space<hbm>>) target(%arg12 : memref<128x64xf32, #tpu.memory_space<vmem>>) offsets(%dma_start3A_125 : memref<128xi32, #tpu.memory_space<vmem>>) semaphore(%arg20 : memref<!tpu.dma_semaphore, #tpu.memory_space<semaphore_mem>>)
      %add3A_129 = arith.constant 7 : i32
      %add3A_130 = arith.addi %mul3A_57, %add3A_129 : i32
      %mul3A_131 = arith.constant 128 : i32
      %mul3A_132 = arith.muli %add3A_130, %mul3A_131 : i32
      %dma_start3A_133 = arith.constant 0 : i32
      %dma_start3A_134 = tpu.memref_slice %arg5[%dma_start3A_133, %mul3A_132] : memref<1x25600xi32, #tpu.memory_space<vmem>> -> memref<1x128xi32, #tpu.memory_space<vmem>>
      %dma_start3A_135 = tpu.memref_squeeze %dma_start3A_134 : memref<1x128xi32, #tpu.memory_space<vmem>> -> memref<128xi32, #tpu.memory_space<vmem>>
      %dma_start3A_136 = arith.constant 0 : i32
      %dma_start3A_137 = arith.constant 0 : i32
      %dma_start3A_138 = tpu.memref_slice %arg3[%dma_start3A_136, %dma_start3A_137] : memref<1000000x64xf32, #tpu.memory_space<hbm>> -> memref<1000000x64xf32, #tpu.memory_space<hbm>>
      tpu.enqueue_indirect_dma source(%dma_start3A_138 : memref<1000000x64xf32, #tpu.memory_space<hbm>>) target(%arg13 : memref<128x64xf32, #tpu.memory_space<vmem>>) offsets(%dma_start3A_135 : memref<128xi32, #tpu.memory_space<vmem>>) semaphore(%arg21 : memref<!tpu.dma_semaphore, #tpu.memory_space<semaphore_mem>>)
      %add3A_139 = arith.constant 0 : i32
      %add3A_140 = arith.addi %mul3A_57, %add3A_139 : i32
      %mul3A_141 = arith.constant 128 : i32
      %mul3A_142 = arith.muli %add3A_140, %mul3A_141 : i32
      %dma_wait3A_143 = arith.constant 0 : i32
      %dma_wait3A_144 = tpu.memref_slice %arg5[%dma_wait3A_143, %mul3A_142] : memref<1x25600xi32, #tpu.memory_space<vmem>> -> memref<1x128xi32, #tpu.memory_space<vmem>>
      %dma_wait3A_145 = tpu.memref_squeeze %dma_wait3A_144 : memref<1x128xi32, #tpu.memory_space<vmem>> -> memref<128xi32, #tpu.memory_space<vmem>>
      %dma_wait3A_146 = arith.constant 0 : i32
      %dma_wait3A_147 = arith.constant 0 : i32
      %dma_wait3A_148 = tpu.memref_slice %arg3[%dma_wait3A_146, %dma_wait3A_147] : memref<1000000x64xf32, #tpu.memory_space<hbm>> -> memref<1000000x64xf32, #tpu.memory_space<hbm>>
      tpu.wait_indirect_dma semaphore(%arg14 : memref<!tpu.dma_semaphore, #tpu.memory_space<semaphore_mem>>) src(%dma_wait3A_148 : memref<1000000x64xf32, #tpu.memory_space<hbm>>) dst(%arg6 : memref<128x64xf32, #tpu.memory_space<vmem>>)
      %add3A_149 = arith.constant 0 : i32
      %add3A_150 = arith.addi %mul3A_57, %add3A_149 : i32
      %mul3A_151 = arith.constant 128 : i32
      %mul3A_152 = arith.muli %add3A_150, %mul3A_151 : i32
      %add3A_153 = arith.addi %mul3A_2, %mul3A_152 : i32
      %dma_start3A_154 = arith.constant 0 : i32
      %dma_start3A_155 = tpu.memref_slice %arg4[%add3A_153, %dma_start3A_154] : memref<819200x64xf32, #tpu.memory_space<hbm>> -> memref<128x64xf32, #tpu.memory_space<hbm>>
      %dma_start3A_156 = arith.constant 0 : i32
      %dma_start3A_157 = tpu.memref_slice %arg4[%add3A_153, %dma_start3A_156] : memref<819200x64xf32, #tpu.memory_space<hbm>> -> memref<128x64xf32, #tpu.memory_space<hbm>>
      tpu.enqueue_dma source(%arg6 : memref<128x64xf32, #tpu.memory_space<vmem>>) target(%dma_start3A_157 : memref<128x64xf32, #tpu.memory_space<hbm>>) target_semaphore(%arg22 : memref<!tpu.dma_semaphore, #tpu.memory_space<semaphore_mem>>)
      %add3A_158 = arith.constant 1 : i32
      %add3A_159 = arith.addi %mul3A_57, %add3A_158 : i32
      %mul3A_160 = arith.constant 128 : i32
      %mul3A_161 = arith.muli %add3A_159, %mul3A_160 : i32
      %dma_wait3A_162 = arith.constant 0 : i32
      %dma_wait3A_163 = tpu.memref_slice %arg5[%dma_wait3A_162, %mul3A_161] : memref<1x25600xi32, #tpu.memory_space<vmem>> -> memref<1x128xi32, #tpu.memory_space<vmem>>
      %dma_wait3A_164 = tpu.memref_squeeze %dma_wait3A_163 : memref<1x128xi32, #tpu.memory_space<vmem>> -> memref<128xi32, #tpu.memory_space<vmem>>
      %dma_wait3A_165 = arith.constant 0 : i32
      %dma_wait3A_166 = arith.constant 0 : i32
      %dma_wait3A_167 = tpu.memref_slice %arg3[%dma_wait3A_165, %dma_wait3A_166] : memref<1000000x64xf32, #tpu.memory_space<hbm>> -> memref<1000000x64xf32, #tpu.memory_space<hbm>>
      tpu.wait_indirect_dma semaphore(%arg15 : memref<!tpu.dma_semaphore, #tpu.memory_space<semaphore_mem>>) src(%dma_wait3A_167 : memref<1000000x64xf32, #tpu.memory_space<hbm>>) dst(%arg7 : memref<128x64xf32, #tpu.memory_space<vmem>>)
      %add3A_168 = arith.constant 1 : i32
      %add3A_169 = arith.addi %mul3A_57, %add3A_168 : i32
      %mul3A_170 = arith.constant 128 : i32
      %mul3A_171 = arith.muli %add3A_169, %mul3A_170 : i32
      %add3A_172 = arith.addi %mul3A_2, %mul3A_171 : i32
      %dma_start3A_173 = arith.constant 0 : i32
      %dma_start3A_174 = tpu.memref_slice %arg4[%add3A_172, %dma_start3A_173] : memref<819200x64xf32, #tpu.memory_space<hbm>> -> memref<128x64xf32, #tpu.memory_space<hbm>>
      %dma_start3A_175 = arith.constant 0 : i32
      %dma_start3A_176 = tpu.memref_slice %arg4[%add3A_172, %dma_start3A_175] : memref<819200x64xf32, #tpu.memory_space<hbm>> -> memref<128x64xf32, #tpu.memory_space<hbm>>
      tpu.enqueue_dma source(%arg7 : memref<128x64xf32, #tpu.memory_space<vmem>>) target(%dma_start3A_176 : memref<128x64xf32, #tpu.memory_space<hbm>>) target_semaphore(%arg23 : memref<!tpu.dma_semaphore, #tpu.memory_space<semaphore_mem>>)
      %add3A_177 = arith.constant 2 : i32
      %add3A_178 = arith.addi %mul3A_57, %add3A_177 : i32
      %mul3A_179 = arith.constant 128 : i32
      %mul3A_180 = arith.muli %add3A_178, %mul3A_179 : i32
      %dma_wait3A_181 = arith.constant 0 : i32
      %dma_wait3A_182 = tpu.memref_slice %arg5[%dma_wait3A_181, %mul3A_180] : memref<1x25600xi32, #tpu.memory_space<vmem>> -> memref<1x128xi32, #tpu.memory_space<vmem>>
      %dma_wait3A_183 = tpu.memref_squeeze %dma_wait3A_182 : memref<1x128xi32, #tpu.memory_space<vmem>> -> memref<128xi32, #tpu.memory_space<vmem>>
      %dma_wait3A_184 = arith.constant 0 : i32
      %dma_wait3A_185 = arith.constant 0 : i32
      %dma_wait3A_186 = tpu.memref_slice %arg3[%dma_wait3A_184, %dma_wait3A_185] : memref<1000000x64xf32, #tpu.memory_space<hbm>> -> memref<1000000x64xf32, #tpu.memory_space<hbm>>
      tpu.wait_indirect_dma semaphore(%arg16 : memref<!tpu.dma_semaphore, #tpu.memory_space<semaphore_mem>>) src(%dma_wait3A_186 : memref<1000000x64xf32, #tpu.memory_space<hbm>>) dst(%arg8 : memref<128x64xf32, #tpu.memory_space<vmem>>)
      %add3A_187 = arith.constant 2 : i32
      %add3A_188 = arith.addi %mul3A_57, %add3A_187 : i32
      %mul3A_189 = arith.constant 128 : i32
      %mul3A_190 = arith.muli %add3A_188, %mul3A_189 : i32
      %add3A_191 = arith.addi %mul3A_2, %mul3A_190 : i32
      %dma_start3A_192 = arith.constant 0 : i32
      %dma_start3A_193 = tpu.memref_slice %arg4[%add3A_191, %dma_start3A_192] : memref<819200x64xf32, #tpu.memory_space<hbm>> -> memref<128x64xf32, #tpu.memory_space<hbm>>
      %dma_start3A_194 = arith.constant 0 : i32
      %dma_start3A_195 = tpu.memref_slice %arg4[%add3A_191, %dma_start3A_194] : memref<819200x64xf32, #tpu.memory_space<hbm>> -> memref<128x64xf32, #tpu.memory_space<hbm>>
      tpu.enqueue_dma source(%arg8 : memref<128x64xf32, #tpu.memory_space<vmem>>) target(%dma_start3A_195 : memref<128x64xf32, #tpu.memory_space<hbm>>) target_semaphore(%arg24 : memref<!tpu.dma_semaphore, #tpu.memory_space<semaphore_mem>>)
      %add3A_196 = arith.constant 3 : i32
      %add3A_197 = arith.addi %mul3A_57, %add3A_196 : i32
      %mul3A_198 = arith.constant 128 : i32
      %mul3A_199 = arith.muli %add3A_197, %mul3A_198 : i32
      %dma_wait3A_200 = arith.constant 0 : i32
      %dma_wait3A_201 = tpu.memref_slice %arg5[%dma_wait3A_200, %mul3A_199] : memref<1x25600xi32, #tpu.memory_space<vmem>> -> memref<1x128xi32, #tpu.memory_space<vmem>>
      %dma_wait3A_202 = tpu.memref_squeeze %dma_wait3A_201 : memref<1x128xi32, #tpu.memory_space<vmem>> -> memref<128xi32, #tpu.memory_space<vmem>>
      %dma_wait3A_203 = arith.constant 0 : i32
      %dma_wait3A_204 = arith.constant 0 : i32
      %dma_wait3A_205 = tpu.memref_slice %arg3[%dma_wait3A_203, %dma_wait3A_204] : memref<1000000x64xf32, #tpu.memory_space<hbm>> -> memref<1000000x64xf32, #tpu.memory_space<hbm>>
      tpu.wait_indirect_dma semaphore(%arg17 : memref<!tpu.dma_semaphore, #tpu.memory_space<semaphore_mem>>) src(%dma_wait3A_205 : memref<1000000x64xf32, #tpu.memory_space<hbm>>) dst(%arg9 : memref<128x64xf32, #tpu.memory_space<vmem>>)
      %add3A_206 = arith.constant 3 : i32
      %add3A_207 = arith.addi %mul3A_57, %add3A_206 : i32
      %mul3A_208 = arith.constant 128 : i32
      %mul3A_209 = arith.muli %add3A_207, %mul3A_208 : i32
      %add3A_210 = arith.addi %mul3A_2, %mul3A_209 : i32
      %dma_start3A_211 = arith.constant 0 : i32
      %dma_start3A_212 = tpu.memref_slice %arg4[%add3A_210, %dma_start3A_211] : memref<819200x64xf32, #tpu.memory_space<hbm>> -> memref<128x64xf32, #tpu.memory_space<hbm>>
      %dma_start3A_213 = arith.constant 0 : i32
      %dma_start3A_214 = tpu.memref_slice %arg4[%add3A_210, %dma_start3A_213] : memref<819200x64xf32, #tpu.memory_space<hbm>> -> memref<128x64xf32, #tpu.memory_space<hbm>>
      tpu.enqueue_dma source(%arg9 : memref<128x64xf32, #tpu.memory_space<vmem>>) target(%dma_start3A_214 : memref<128x64xf32, #tpu.memory_space<hbm>>) target_semaphore(%arg25 : memref<!tpu.dma_semaphore, #tpu.memory_space<semaphore_mem>>)
      %add3A_215 = arith.constant 4 : i32
      %add3A_216 = arith.addi %mul3A_57, %add3A_215 : i32
      %mul3A_217 = arith.constant 128 : i32
      %mul3A_218 = arith.muli %add3A_216, %mul3A_217 : i32
      %dma_wait3A_219 = arith.constant 0 : i32
      %dma_wait3A_220 = tpu.memref_slice %arg5[%dma_wait3A_219, %mul3A_218] : memref<1x25600xi32, #tpu.memory_space<vmem>> -> memref<1x128xi32, #tpu.memory_space<vmem>>
      %dma_wait3A_221 = tpu.memref_squeeze %dma_wait3A_220 : memref<1x128xi32, #tpu.memory_space<vmem>> -> memref<128xi32, #tpu.memory_space<vmem>>
      %dma_wait3A_222 = arith.constant 0 : i32
      %dma_wait3A_223 = arith.constant 0 : i32
      %dma_wait3A_224 = tpu.memref_slice %arg3[%dma_wait3A_222, %dma_wait3A_223] : memref<1000000x64xf32, #tpu.memory_space<hbm>> -> memref<1000000x64xf32, #tpu.memory_space<hbm>>
      tpu.wait_indirect_dma semaphore(%arg18 : memref<!tpu.dma_semaphore, #tpu.memory_space<semaphore_mem>>) src(%dma_wait3A_224 : memref<1000000x64xf32, #tpu.memory_space<hbm>>) dst(%arg10 : memref<128x64xf32, #tpu.memory_space<vmem>>)
      %add3A_225 = arith.constant 4 : i32
      %add3A_226 = arith.addi %mul3A_57, %add3A_225 : i32
      %mul3A_227 = arith.constant 128 : i32
      %mul3A_228 = arith.muli %add3A_226, %mul3A_227 : i32
      %add3A_229 = arith.addi %mul3A_2, %mul3A_228 : i32
      %dma_start3A_230 = arith.constant 0 : i32
      %dma_start3A_231 = tpu.memref_slice %arg4[%add3A_229, %dma_start3A_230] : memref<819200x64xf32, #tpu.memory_space<hbm>> -> memref<128x64xf32, #tpu.memory_space<hbm>>
      %dma_start3A_232 = arith.constant 0 : i32
      %dma_start3A_233 = tpu.memref_slice %arg4[%add3A_229, %dma_start3A_232] : memref<819200x64xf32, #tpu.memory_space<hbm>> -> memref<128x64xf32, #tpu.memory_space<hbm>>
      tpu.enqueue_dma source(%arg10 : memref<128x64xf32, #tpu.memory_space<vmem>>) target(%dma_start3A_233 : memref<128x64xf32, #tpu.memory_space<hbm>>) target_semaphore(%arg26 : memref<!tpu.dma_semaphore, #tpu.memory_space<semaphore_mem>>)
      %add3A_234 = arith.constant 5 : i32
      %add3A_235 = arith.addi %mul3A_57, %add3A_234 : i32
      %mul3A_236 = arith.constant 128 : i32
      %mul3A_237 = arith.muli %add3A_235, %mul3A_236 : i32
      %dma_wait3A_238 = arith.constant 0 : i32
      %dma_wait3A_239 = tpu.memref_slice %arg5[%dma_wait3A_238, %mul3A_237] : memref<1x25600xi32, #tpu.memory_space<vmem>> -> memref<1x128xi32, #tpu.memory_space<vmem>>
      %dma_wait3A_240 = tpu.memref_squeeze %dma_wait3A_239 : memref<1x128xi32, #tpu.memory_space<vmem>> -> memref<128xi32, #tpu.memory_space<vmem>>
      %dma_wait3A_241 = arith.constant 0 : i32
      %dma_wait3A_242 = arith.constant 0 : i32
      %dma_wait3A_243 = tpu.memref_slice %arg3[%dma_wait3A_241, %dma_wait3A_242] : memref<1000000x64xf32, #tpu.memory_space<hbm>> -> memref<1000000x64xf32, #tpu.memory_space<hbm>>
      tpu.wait_indirect_dma semaphore(%arg19 : memref<!tpu.dma_semaphore, #tpu.memory_space<semaphore_mem>>) src(%dma_wait3A_243 : memref<1000000x64xf32, #tpu.memory_space<hbm>>) dst(%arg11 : memref<128x64xf32, #tpu.memory_space<vmem>>)
      %add3A_244 = arith.constant 5 : i32
      %add3A_245 = arith.addi %mul3A_57, %add3A_244 : i32
      %mul3A_246 = arith.constant 128 : i32
      %mul3A_247 = arith.muli %add3A_245, %mul3A_246 : i32
      %add3A_248 = arith.addi %mul3A_2, %mul3A_247 : i32
      %dma_start3A_249 = arith.constant 0 : i32
      %dma_start3A_250 = tpu.memref_slice %arg4[%add3A_248, %dma_start3A_249] : memref<819200x64xf32, #tpu.memory_space<hbm>> -> memref<128x64xf32, #tpu.memory_space<hbm>>
      %dma_start3A_251 = arith.constant 0 : i32
      %dma_start3A_252 = tpu.memref_slice %arg4[%add3A_248, %dma_start3A_251] : memref<819200x64xf32, #tpu.memory_space<hbm>> -> memref<128x64xf32, #tpu.memory_space<hbm>>
      tpu.enqueue_dma source(%arg11 : memref<128x64xf32, #tpu.memory_space<vmem>>) target(%dma_start3A_252 : memref<128x64xf32, #tpu.memory_space<hbm>>) target_semaphore(%arg27 : memref<!tpu.dma_semaphore, #tpu.memory_space<semaphore_mem>>)
      %add3A_253 = arith.constant 6 : i32
      %add3A_254 = arith.addi %mul3A_57, %add3A_253 : i32
      %mul3A_255 = arith.constant 128 : i32
      %mul3A_256 = arith.muli %add3A_254, %mul3A_255 : i32
      %dma_wait3A_257 = arith.constant 0 : i32
      %dma_wait3A_258 = tpu.memref_slice %arg5[%dma_wait3A_257, %mul3A_256] : memref<1x25600xi32, #tpu.memory_space<vmem>> -> memref<1x128xi32, #tpu.memory_space<vmem>>
      %dma_wait3A_259 = tpu.memref_squeeze %dma_wait3A_258 : memref<1x128xi32, #tpu.memory_space<vmem>> -> memref<128xi32, #tpu.memory_space<vmem>>
      %dma_wait3A_260 = arith.constant 0 : i32
      %dma_wait3A_261 = arith.constant 0 : i32
      %dma_wait3A_262 = tpu.memref_slice %arg3[%dma_wait3A_260, %dma_wait3A_261] : memref<1000000x64xf32, #tpu.memory_space<hbm>> -> memref<1000000x64xf32, #tpu.memory_space<hbm>>
      tpu.wait_indirect_dma semaphore(%arg20 : memref<!tpu.dma_semaphore, #tpu.memory_space<semaphore_mem>>) src(%dma_wait3A_262 : memref<1000000x64xf32, #tpu.memory_space<hbm>>) dst(%arg12 : memref<128x64xf32, #tpu.memory_space<vmem>>)
      %add3A_263 = arith.constant 6 : i32
      %add3A_264 = arith.addi %mul3A_57, %add3A_263 : i32
      %mul3A_265 = arith.constant 128 : i32
      %mul3A_266 = arith.muli %add3A_264, %mul3A_265 : i32
      %add3A_267 = arith.addi %mul3A_2, %mul3A_266 : i32
      %dma_start3A_268 = arith.constant 0 : i32
      %dma_start3A_269 = tpu.memref_slice %arg4[%add3A_267, %dma_start3A_268] : memref<819200x64xf32, #tpu.memory_space<hbm>> -> memref<128x64xf32, #tpu.memory_space<hbm>>
      %dma_start3A_270 = arith.constant 0 : i32
      %dma_start3A_271 = tpu.memref_slice %arg4[%add3A_267, %dma_start3A_270] : memref<819200x64xf32, #tpu.memory_space<hbm>> -> memref<128x64xf32, #tpu.memory_space<hbm>>
      tpu.enqueue_dma source(%arg12 : memref<128x64xf32, #tpu.memory_space<vmem>>) target(%dma_start3A_271 : memref<128x64xf32, #tpu.memory_space<hbm>>) target_semaphore(%arg28 : memref<!tpu.dma_semaphore, #tpu.memory_space<semaphore_mem>>)
      %add3A_272 = arith.constant 7 : i32
      %add3A_273 = arith.addi %mul3A_57, %add3A_272 : i32
      %mul3A_274 = arith.constant 128 : i32
      %mul3A_275 = arith.muli %add3A_273, %mul3A_274 : i32
      %dma_wait3A_276 = arith.constant 0 : i32
      %dma_wait3A_277 = tpu.memref_slice %arg5[%dma_wait3A_276, %mul3A_275] : memref<1x25600xi32, #tpu.memory_space<vmem>> -> memref<1x128xi32, #tpu.memory_space<vmem>>
      %dma_wait3A_278 = tpu.memref_squeeze %dma_wait3A_277 : memref<1x128xi32, #tpu.memory_space<vmem>> -> memref<128xi32, #tpu.memory_space<vmem>>
      %dma_wait3A_279 = arith.constant 0 : i32
      %dma_wait3A_280 = arith.constant 0 : i32
      %dma_wait3A_281 = tpu.memref_slice %arg3[%dma_wait3A_279, %dma_wait3A_280] : memref<1000000x64xf32, #tpu.memory_space<hbm>> -> memref<1000000x64xf32, #tpu.memory_space<hbm>>
      tpu.wait_indirect_dma semaphore(%arg21 : memref<!tpu.dma_semaphore, #tpu.memory_space<semaphore_mem>>) src(%dma_wait3A_281 : memref<1000000x64xf32, #tpu.memory_space<hbm>>) dst(%arg13 : memref<128x64xf32, #tpu.memory_space<vmem>>)
      %add3A_282 = arith.constant 7 : i32
      %add3A_283 = arith.addi %mul3A_57, %add3A_282 : i32
      %mul3A_284 = arith.constant 128 : i32
      %mul3A_285 = arith.muli %add3A_283, %mul3A_284 : i32
      %add3A_286 = arith.addi %mul3A_2, %mul3A_285 : i32
      %dma_start3A_287 = arith.constant 0 : i32
      %dma_start3A_288 = tpu.memref_slice %arg4[%add3A_286, %dma_start3A_287] : memref<819200x64xf32, #tpu.memory_space<hbm>> -> memref<128x64xf32, #tpu.memory_space<hbm>>
      %dma_start3A_289 = arith.constant 0 : i32
      %dma_start3A_290 = tpu.memref_slice %arg4[%add3A_286, %dma_start3A_289] : memref<819200x64xf32, #tpu.memory_space<hbm>> -> memref<128x64xf32, #tpu.memory_space<hbm>>
      tpu.enqueue_dma source(%arg13 : memref<128x64xf32, #tpu.memory_space<vmem>>) target(%dma_start3A_290 : memref<128x64xf32, #tpu.memory_space<hbm>>) target_semaphore(%arg29 : memref<!tpu.dma_semaphore, #tpu.memory_space<semaphore_mem>>)
    }
    %scan3A_7 = arith.constant 25 : i32
    %add3A_8 = arith.constant 24576 : i32
    %add3A_9 = arith.addi %mul3A_2, %add3A_8 : i32
    %dma_wait3A = arith.constant 0 : i32
    %dma_wait3A_10 = tpu.memref_slice %arg4[%add3A_9, %dma_wait3A] : memref<819200x64xf32, #tpu.memory_space<hbm>> -> memref<128x64xf32, #tpu.memory_space<hbm>>
    %dma_wait3A_11 = arith.constant 0 : i32
    %dma_wait3A_12 = tpu.memref_slice %arg4[%add3A_9, %dma_wait3A_11] : memref<819200x64xf32, #tpu.memory_space<hbm>> -> memref<128x64xf32, #tpu.memory_space<hbm>>
    tpu.wait_dma2 semaphore(%arg22 : memref<!tpu.dma_semaphore, #tpu.memory_space<semaphore_mem>>) src(%arg6 : memref<128x64xf32, #tpu.memory_space<vmem>>) dst(%dma_wait3A_12 : memref<128x64xf32, #tpu.memory_space<hbm>>)
    %add3A_13 = arith.constant 24704 : i32
    %add3A_14 = arith.addi %mul3A_2, %add3A_13 : i32
    %dma_wait3A_15 = arith.constant 0 : i32
    %dma_wait3A_16 = tpu.memref_slice %arg4[%add3A_14, %dma_wait3A_15] : memref<819200x64xf32, #tpu.memory_space<hbm>> -> memref<128x64xf32, #tpu.memory_space<hbm>>
    %dma_wait3A_17 = arith.constant 0 : i32
    %dma_wait3A_18 = tpu.memref_slice %arg4[%add3A_14, %dma_wait3A_17] : memref<819200x64xf32, #tpu.memory_space<hbm>> -> memref<128x64xf32, #tpu.memory_space<hbm>>
    tpu.wait_dma2 semaphore(%arg23 : memref<!tpu.dma_semaphore, #tpu.memory_space<semaphore_mem>>) src(%arg7 : memref<128x64xf32, #tpu.memory_space<vmem>>) dst(%dma_wait3A_18 : memref<128x64xf32, #tpu.memory_space<hbm>>)
    %add3A_19 = arith.constant 24832 : i32
    %add3A_20 = arith.addi %mul3A_2, %add3A_19 : i32
    %dma_wait3A_21 = arith.constant 0 : i32
    %dma_wait3A_22 = tpu.memref_slice %arg4[%add3A_20, %dma_wait3A_21] : memref<819200x64xf32, #tpu.memory_space<hbm>> -> memref<128x64xf32, #tpu.memory_space<hbm>>
    %dma_wait3A_23 = arith.constant 0 : i32
    %dma_wait3A_24 = tpu.memref_slice %arg4[%add3A_20, %dma_wait3A_23] : memref<819200x64xf32, #tpu.memory_space<hbm>> -> memref<128x64xf32, #tpu.memory_space<hbm>>
    tpu.wait_dma2 semaphore(%arg24 : memref<!tpu.dma_semaphore, #tpu.memory_space<semaphore_mem>>) src(%arg8 : memref<128x64xf32, #tpu.memory_space<vmem>>) dst(%dma_wait3A_24 : memref<128x64xf32, #tpu.memory_space<hbm>>)
    %add3A_25 = arith.constant 24960 : i32
    %add3A_26 = arith.addi %mul3A_2, %add3A_25 : i32
    %dma_wait3A_27 = arith.constant 0 : i32
    %dma_wait3A_28 = tpu.memref_slice %arg4[%add3A_26, %dma_wait3A_27] : memref<819200x64xf32, #tpu.memory_space<hbm>> -> memref<128x64xf32, #tpu.memory_space<hbm>>
    %dma_wait3A_29 = arith.constant 0 : i32
    %dma_wait3A_30 = tpu.memref_slice %arg4[%add3A_26, %dma_wait3A_29] : memref<819200x64xf32, #tpu.memory_space<hbm>> -> memref<128x64xf32, #tpu.memory_space<hbm>>
    tpu.wait_dma2 semaphore(%arg25 : memref<!tpu.dma_semaphore, #tpu.memory_space<semaphore_mem>>) src(%arg9 : memref<128x64xf32, #tpu.memory_space<vmem>>) dst(%dma_wait3A_30 : memref<128x64xf32, #tpu.memory_space<hbm>>)
    %add3A_31 = arith.constant 25088 : i32
    %add3A_32 = arith.addi %mul3A_2, %add3A_31 : i32
    %dma_wait3A_33 = arith.constant 0 : i32
    %dma_wait3A_34 = tpu.memref_slice %arg4[%add3A_32, %dma_wait3A_33] : memref<819200x64xf32, #tpu.memory_space<hbm>> -> memref<128x64xf32, #tpu.memory_space<hbm>>
    %dma_wait3A_35 = arith.constant 0 : i32
    %dma_wait3A_36 = tpu.memref_slice %arg4[%add3A_32, %dma_wait3A_35] : memref<819200x64xf32, #tpu.memory_space<hbm>> -> memref<128x64xf32, #tpu.memory_space<hbm>>
    tpu.wait_dma2 semaphore(%arg26 : memref<!tpu.dma_semaphore, #tpu.memory_space<semaphore_mem>>) src(%arg10 : memref<128x64xf32, #tpu.memory_space<vmem>>) dst(%dma_wait3A_36 : memref<128x64xf32, #tpu.memory_space<hbm>>)
    %add3A_37 = arith.constant 25216 : i32
    %add3A_38 = arith.addi %mul3A_2, %add3A_37 : i32
    %dma_wait3A_39 = arith.constant 0 : i32
    %dma_wait3A_40 = tpu.memref_slice %arg4[%add3A_38, %dma_wait3A_39] : memref<819200x64xf32, #tpu.memory_space<hbm>> -> memref<128x64xf32, #tpu.memory_space<hbm>>
    %dma_wait3A_41 = arith.constant 0 : i32
    %dma_wait3A_42 = tpu.memref_slice %arg4[%add3A_38, %dma_wait3A_41] : memref<819200x64xf32, #tpu.memory_space<hbm>> -> memref<128x64xf32, #tpu.memory_space<hbm>>
    tpu.wait_dma2 semaphore(%arg27 : memref<!tpu.dma_semaphore, #tpu.memory_space<semaphore_mem>>) src(%arg11 : memref<128x64xf32, #tpu.memory_space<vmem>>) dst(%dma_wait3A_42 : memref<128x64xf32, #tpu.memory_space<hbm>>)
    %add3A_43 = arith.constant 25344 : i32
    %add3A_44 = arith.addi %mul3A_2, %add3A_43 : i32
    %dma_wait3A_45 = arith.constant 0 : i32
    %dma_wait3A_46 = tpu.memref_slice %arg4[%add3A_44, %dma_wait3A_45] : memref<819200x64xf32, #tpu.memory_space<hbm>> -> memref<128x64xf32, #tpu.memory_space<hbm>>
    %dma_wait3A_47 = arith.constant 0 : i32
    %dma_wait3A_48 = tpu.memref_slice %arg4[%add3A_44, %dma_wait3A_47] : memref<819200x64xf32, #tpu.memory_space<hbm>> -> memref<128x64xf32, #tpu.memory_space<hbm>>
    tpu.wait_dma2 semaphore(%arg28 : memref<!tpu.dma_semaphore, #tpu.memory_space<semaphore_mem>>) src(%arg12 : memref<128x64xf32, #tpu.memory_space<vmem>>) dst(%dma_wait3A_48 : memref<128x64xf32, #tpu.memory_space<hbm>>)
    %add3A_49 = arith.constant 25472 : i32
    %add3A_50 = arith.addi %mul3A_2, %add3A_49 : i32
    %dma_wait3A_51 = arith.constant 0 : i32
    %dma_wait3A_52 = tpu.memref_slice %arg4[%add3A_50, %dma_wait3A_51] : memref<819200x64xf32, #tpu.memory_space<hbm>> -> memref<128x64xf32, #tpu.memory_space<hbm>>
    %dma_wait3A_53 = arith.constant 0 : i32
    %dma_wait3A_54 = tpu.memref_slice %arg4[%add3A_50, %dma_wait3A_53] : memref<819200x64xf32, #tpu.memory_space<hbm>> -> memref<128x64xf32, #tpu.memory_space<hbm>>
    tpu.wait_dma2 semaphore(%arg29 : memref<!tpu.dma_semaphore, #tpu.memory_space<semaphore_mem>>) src(%arg13 : memref<128x64xf32, #tpu.memory_space<vmem>>) dst(%dma_wait3A_54 : memref<128x64xf32, #tpu.memory_space<hbm>>)
    return
  }
}

</mosaic_0001>

<sc_bundles>
// kernel: kernel.3.cloned.1.call-start
scs
__scs_entry_jumppad:
0x0: {  	(pc) =	sbr.rel $0x88, $3  }
0x1: {  	(tag) =	ssettag $0x0;
	lr =	simm.s32 $0x1  }
0x2: {  	[smem:$0x3F9E] =	sst lr;
	_ =	strace $0xD0000000  }
0x3: {  	_ = 	snop  }
0x4: {  	_ = 	snop  }
0x5: {  	_ = 	snop  }
0x6: {  	_ = 	snop  }
0x7: {  	_ = 	snop  }
__scs_overlays_trampoline_lowered:
0x8: {  	[smem:$0x3FAD] =	sst s0  }
0x9: {  	[smem:$0x3FAE] =	sst s1  }
0xa: {  	[smem:$0x3FAF] =	sst s2  }
0xb: {  	[smem:$0x3FB0] =	sst s3  }
0xc: {  	[smem:$0x3FB1] =	sst s4  }
0xd: {  	[smem:$0x3FB2] =	sst s5  }
0xe: {  	[smem:$0x3FB3] =	sst s6  }
0xf: {  	[smem:$0x3FB4] =	sst s7  }
0x10: {  	[smem:$0x3FB5] =	sst s8  }
0x11: {  	[smem:$0x3FB6] =	sst s9;
	s0 =	simm.s32 @!p0 $0x0  }
0x12: {  	s1 =	sld [smem:$0x3F9C];
	s0 =	simm.s32 @p0 $0x1  }
0x13: {  	[smem:$0x3FB7] =	sst s0;
	s0 =	simm.s32 @!p1 $0x0  }
0x14: {  	s2 =	sld [smem:$0x3F9B];
	s0 =	simm.s32 @p1 $0x1  }
0x15: {  	[smem:$0x3FB8] =	sst s0;
	s0 =	simm.s32 @!p2 $0x0  }
0x16: {  	s3 =	sld [smem:$0x3FDB];
	s0 =	simm.s32 @p2 $0x1  }
0x17: {  	s4 =	simm.s32 $0x1BF5;
	[smem:$0x3FBA] =	sst s0  }
0x18: {  	s0 =	sld [smem:$0x3F9D];
	_ =	swait.ge [sflag:s4], $0x0  }
0x19: {  	s7 =	sld [smem:$0x3F9E]  }
0x1a: {  	s8 =	sadd.s32 $0xFFFFE003, lr  }
0x1b: {  	s9 =	sadd.s32 $0xFFFFFEF7, lr;
	s5 =	simm.s32 $0xFFFFFFFF;
	p2 =	slt.u32 s8, $0xFFFFF086  }
0x1c: {  	p1 =	slt.u32 s9, $0xF7A;
	s5 =	simm.s32 @!p2 $0x0  }
0x1d: {  	s5 =	simm.s32 @p1 $0x1;
	p0 =	seq.s32 s7, s2  }
0x1e: {  	s7 =	smul.u32 @!p0 $0xF7A, s2;
	p2 =	seq.s32 @!p0 s5, $0x0  }
0x1f: {  	s9 =	smul.u32 $0xF7A, s1;
	s8 =	simm.s32 @!p0 $0x1BF5;
	p2 =	por !p2, p0  }
0x20: {  	[sflag:s8] =	ssyncset.s32 @!p0 $0xFFFFF086;
	s6 =	sadd.s32 @!p0 s3, s7;
	s7 =	simm.s32 @!p0 $0x108  }
0x21: {  	s3 =	sadd.s32 s3, s9;
	s6 =	sadd.s32 @!p0 $0x88, s6;
	s7 =	simm.s32 @p2 $0x1082  }
0x22: {  	[simem:s7], [sflag:s8] =	dma.local @!p0 [hbm:s6], $0xF7A  }
0x23: {  	s9 =	sor.u32 $0xD0000000, s2;
	s6 =	simm.s32 $0x108;
	_ =	swait.ge @!p0 [sflag:s8], $0x0  }
0x24: {  	s3 =	sadd.s32 $0x88, s3;
	s6 =	simm.s32 @!p1 $0x1082;
	[sflag:s4] =	ssyncset.s32 $0xFFFFF086  }
0x25: {  	[simem:s6], [sflag:s4] =	dma.local [hbm:s3], $0xF7A  }
0x26: {  	[smem:$0x3F9E] =	sst s1;
	(tag) =	ssettag s2;
	_ =	strace s9  }
0x27: {  	s1 =	sld [smem:$0x3FAE]  }
0x28: {  	s2 =	sld [smem:$0x3FAF]  }
0x29: {  	s4 =	sld [smem:$0x3FB1]  }
0x2a: {  	p0 =	seq.s32 s5, $0x0;
	s5 =	sld [smem:$0x3FB2]  }
0x2b: {  	s6 =	sld [smem:$0x3FB3]  }
0x2c: {  	s7 =	sld [smem:$0x3FB4]  }
0x2d: {  	s3 =	simm.s32 $0x108;
	s8 =	sld [smem:$0x3FB5]  }
0x2e: {  	s3 =	simm.s32 @!p0 $0x1082;
	s9 =	sld [smem:$0x3FB6]  }
0x2f: {  	lr =	sadd.s32 s0, s3;
	s0 =	sld [smem:$0x3FAD]  }
0x30: {  	s3 =	sld [smem:$0x3FB0]  }
0x31: {  	[smem:$0x3FB9] =	sst s10  }
0x32: {  	s10 =	sld [smem:$0x3FB7];
	_ =	sdelay $0x3  }
0x33: {  	p0 =	seq.s32 s10, $0x1;
	s10 =	sld [smem:$0x3FB9];
	_ =	sdelay $0x3  }
0x34: {  	[smem:$0x3FB9] =	sst s10  }
0x35: {  	s10 =	sld [smem:$0x3FB8];
	_ =	sdelay $0x3  }
0x36: {  	p1 =	seq.s32 s10, $0x1;
	s10 =	sld [smem:$0x3FB9];
	_ =	sdelay $0x3  }
0x37: {  	[smem:$0x3FB9] =	sst s10  }
0x38: {  	s10 =	sld [smem:$0x3FBA]  }
0x39: {  	_ = 	snop;
	(pc) =	sbr.ind lr, $3  }
0x3a: {  	_ = 	snop  }
0x3b: {  	_ = 	snop  }
0x3c: {  	p2 =	seq.s32 s10, $0x1;
	s10 =	sld [smem:$0x3FB9]  }
0x3d: {  	_ =	shalt  }
0x3e: {  	_ =	shalt  }
0x3f: {  	_ =	shalt  }
0x40: {  	_ =	shalt  }
0x41: {  	_ =	shalt  }
0x42: {  	_ =	shalt  }
0x43: {  	_ =	shalt  }
0x44: {  	_ =	shalt  }
0x45: {  	_ =	shalt  }
0x46: {  	_ =	shalt  }
0x47: {  	_ =	shalt  }
0x48: {  	_ =	shalt  }
0x49: {  	_ =	shalt  }
0x4a: {  	_ =	shalt  }
0x4b: {  	_ =	shalt  }
0x4c: {  	_ =	shalt  }
0x4d: {  	_ =	shalt  }
0x4e: {  	_ =	shalt  }
0x4f: {  	_ =	shalt  }
0x50: {  	_ =	shalt  }
0x51: {  	_ =	shalt  }
0x52: {  	_ =	shalt  }
0x53: {  	_ =	shalt  }
0x54: {  	_ =	shalt  }
0x55: {  	_ =	shalt  }
0x56: {  	_ =	shalt  }
0x57: {  	_ =	shalt  }
0x58: {  	_ =	shalt  }
0x59: {  	_ =	shalt  }
0x5a: {  	_ =	shalt  }
0x5b: {  	_ =	shalt  }
0x5c: {  	_ =	shalt  }
0x5d: {  	_ =	shalt  }
0x5e: {  	_ =	shalt  }
0x5f: {  	_ =	shalt  }
0x60: {  	_ =	shalt  }
0x61: {  	_ =	shalt  }
0x62: {  	_ =	shalt  }
0x63: {  	_ =	shalt  }
0x64: {  	_ =	shalt  }
0x65: {  	_ =	shalt  }
0x66: {  	_ =	shalt  }
0x67: {  	_ =	shalt  }
0x68: {  	_ =	shalt  }
0x69: {  	_ =	shalt  }
0x6a: {  	_ =	shalt  }
0x6b: {  	_ =	shalt  }
0x6c: {  	_ =	shalt  }
0x6d: {  	_ =	shalt  }
0x6e: {  	_ =	shalt  }
0x6f: {  	_ =	shalt  }
0x70: {  	_ =	shalt  }
0x71: {  	_ =	shalt  }
0x72: {  	_ =	shalt  }
0x73: {  	_ =	shalt  }
0x74: {  	_ =	shalt  }
0x75: {  	_ =	shalt  }
0x76: {  	_ =	shalt  }
0x77: {  	_ =	shalt  }
0x78: {  	_ =	shalt  }
0x79: {  	_ =	shalt  }
0x7a: {  	_ =	shalt  }
0x7b: {  	_ =	shalt  }
0x7c: {  	_ =	shalt  }
0x7d: {  	_ =	shalt  }
0x7e: {  	_ =	shalt  }
0x7f: {  	_ =	shalt  }
0x80: {  	_ =	shalt  }
0x81: {  	_ =	shalt  }
0x82: {  	_ =	shalt  }
0x83: {  	_ =	shalt  }
0x84: {  	_ =	shalt  }
0x85: {  	_ =	shalt  }
0x86: {  	_ =	shalt  }
0x87: {  	_ =	shalt  }
.Lfunc_end0:
.L_simem_size_0:
called_computation.1_lowered:
.L_overlay_start_0:
0x88: {  	s2 =	sld [smem:$0x3FD9]  }
0x89: {  	s3 =	sld [smem:$0x3FFE];
	_ =	sdelay $0x1  }
0x8a: {  	s1 =	srdreg.scid  }
0x8b: {  	s0 =	sand.u32 $0x1, s1  }
0x8c: {  	s17 =	sshll.u32 s0, $0xA;
	s2 =	sadd.s32 s3, s2  }
0x8d: {  	s2 =	sadd.s32 s2, s17  }
0x8e: {  	[smem:$0x3FC5] =	sst s2  }
0x8f: {  	_ = 	snop  }
0x90: {  	s2 =	sld [smem:$0x3FD0];
	(tm) =	ssettm $0x1  }
0x91: {  	s18 =	sld [smem:$0x3FFB];
	_ =	sdelay $0x3  }
0x92: {  	_ =	strace s18  }
0x93: {  	s3 =	sld [smem:$0x3FFC];
	_ =	sdelay $0x3  }
0x94: {  	_ =	strace s3  }
0x95: {  	s3 =	sld [smem:$0x3FFD];
	_ =	sdelay $0x3  }
0x96: {  	_ =	strace s3  }
0x97: {  	_ =	strace $0x8FFFFFFF  }
0x98: {  	s19 =	sld [smem:$0x3FDB];
	_ =	sdelay $0x1  }
0x99: {  	s4 =	simm.s32 $_scs_section_size  }
0x9a: {  	s5 =	simm.s32 $_size__tile_overlayer_lowered;
	s6 =	simm.s32 $_tile_overlayer_lowered  }
0x9b: {  	s22 =	simm.s32 $0x1BFF;
	s21 =	sshll.u32 s6, $0x1;
	s3 =	sadd.s32 s4, s19  }
0x9c: {  	s7 =	simm.s32 $0x0;
	s20 =	sshll.u32 s5, $0x1;
	s5 =	sadd.s32 s21, s3  }
0x9d: {  	[timem:s7], [sflag:s22] =	dma.local [hbm:s5], s20  }
0x9e: {  	_ =	swait.ge [sflag:s22], s20  }
0x9f: {  	s4 =	ssub.s32 $0x0, s20;
	[sflag:s22] =	ssyncset.done $0x0  }
0xa0: {  	[sflag:s22] =	ssyncadd.s32 s4;
	_ =	sdelay $0x1  }
0xa1: {  	s23 =	simm.s32 $0x1B8B  }
0xa2: {  	_ =	swait.ge [sflag:s23], $0x1  }
0xa3: {  	[sflag:s23] =	ssyncset.done $0x0  }
0xa4: {  	s25 =	simm.s32 $0x1B8E;
	s24 =	sld [smem:$0x3FFE];
	[sflag:s23] =	ssyncadd.s32 $0xFFFFFFFF  }
0xa5: {  	s26 =	simm.s32 $execute0_lowered;
	[smem:$0x3FD2] =	sst s25  }
0xa6: {  	s5 =	sshll.u32 s26, $0x1;
	_ =	strace $0x80000046;
	[dreg:$0x1] =	wrdreg $0xFFFFFFFF  }
0xa7: {  	s28 =	simm.s32 $_size_execute0_lowered;
	s3 =	sadd.s32 s3, s5;
	[dreg:$0x0] =	wrdreg $0x0  }
0xa8: {  	s5 =	sshll.u32 s28, $0x1;
	[dreg:$0x2] =	wrdreg s3  }
0xa9: {  	[dreg:$0x3] =	wrdreg s5  }
0xaa: {  	[dreg:$0x4] =	wrdreg $0xC0  }
0xab: {  	_ =	task [dreg:s7], $0x5FFFF  }
0xac: {  	[dreg:$0x1] =	wrdreg $0xFFFFFFFF  }
0xad: {  	[dreg:$0x0] =	wrdreg $0x60  }
0xae: {  	[dreg:$0x2] =	wrdreg s24  }
0xaf: {  	[dreg:$0x3] =	wrdreg s2  }
0xb0: {  	[dreg:$0x4] =	wrdreg $0x9  }
0xb1: {  	_ =	task.clear_ibuf [dreg:s7], $0x5FFFF;
	_ =	strace $0x90000046  }
0xb2: {  	s29 =	simm.s32 $0x9;
	_ =	strace $0x80000048  }
0xb3: {  	_ =	swait.ge [sflag:s29], $0x1  }
0xb4: {  	[sflag:s29] =	ssyncadd.s32 $0xFFFFFFFF  }
0xb5: {  	_ =	strace $0x90000048  }
0xb6: {  	_ =	sfence  }
0xb7: {  	s30 =	sld [smem:$0x0];
	_ =	sdelay $0x2  }
0xb8: {  	s31 =	sshll.u32 s1, $0xD;
	s1 =	sshrl.u32 s1, $0x2  }
0xb9: {  	s3 =	sand.u32 $0x4000, s31;
	s1 =	sadd.s32 s1, s30  }
0xba: {  	s0 =	sor.u32 s3, s0;
	s1 =	sshll.u32 s1, $0x11  }
0xbb: {  	s0 =	sor.u32 s1, s0  }
0xbc: {  	s0 =	sadd.s32 $0x8F2B, s0  }
0xbd: {  	[sflag:s0] =	ssyncadd.remote.s32 $0x1  }
0xbe: {  	_ =	sfence.sel $0xFFFF  }
0xbf: {  	[dreg:$0x0] =	wrdreg $0xFFFFFFFF;
	(pc) =	sbr.abs _section_cstart, $3  }
0xc0: {  	[dreg:$0x1] =	wrdreg $0xFFFFFFFF  }
0xc1: {  	_ =	task.clear_ibuf [dreg:s7], $0x2FFFF;
	_ =	strace $0x9FFFFFFF  }
0xc2: {  	(tm) =	ssettm $0x7FFFFFFF  }
0xc3: {  	_ =	shalt  }
tec
execute0_lowered:
.L_overlay_start_1:
0x0: {  	(tag) =	ssettag $0x1  }
0x1: {  	s0 =	srdreg.scid  }
0x2: {  	s8 =	stileid.u32;
	s1 =	rddreg [dreg:$0x0]  }
0x3: {  	s2 =	rddreg [dreg:$0x1];
	s10 =	simm.s32 $0x8400;
	s11 =	simm.s32 $0xA400  }
0x4: {  	s12 =	simm.s32 $0xC400;
	s13 =	simm.s32 $0xE400;
	s14 =	simm.s32 $0x10400  }
0x5: {  	s15 =	simm.s32 $0x12400;
	s29 =	simm.s32 $0xC;
	s4 =	smul.u32 $0xC800, s8  }
0x6: {  	s30 =	simm.s32 $0xD;
	s0 =	sand.u32 $0x1, s0;
	s21 =	smul.u32 $0x64000, s8  }
0x7: {  	s31 =	simm.s32 $0xE;
	s3 =	sshll.u32 s8, $0x1;
	s5 =	smul.u32 $0x6400, s0  }
0x8: {  	s8 =	simm.s32 $0x80;
	s6 =	sor.u32 s0, s3;
	s23 =	smul.u32 $0x32000, s0  }
0x9: {  	s3 =	simm.s32 $0x0;
	s0 =	ssub.s32 $0x2, s0;
	s6 =	smul.u32 $0x6400, s6  }
0xa: {  	[smem:$0x7FF] =	sst s3;
	s9 =	sshrl.u32 s0, $0x1;
	s4 =	sadd.s32 s5, s4  }
0xb: {  	_ =	strace $0x80000047;
	s25 =	sadd.s32 s23, s21;
	s0 =	ssub.s32 s0, s9  }
0xc: {  	s9 =	simm.s32 $0x6400;
	s21 =	simm.s32 $0x5;
	s23 =	simm.s32 $0x7  }
0xd: {  	s5 =	sshll.u32 s4, $0x3;
	[dreg:$0x9] =	wrdreg s25;
	s0 =	smax.u32 s0, $0x1  }
0xe: {  	s16 =	sshrl.u32 s6, $0x3;
	s17 =	sor.u32 $0x1800, s5;
	[dreg:$0xc] =	wrdreg s0  }
0xf: {  	s4 =	sadd.s32 $0xF43000, s1;
	s18 =	sor.u32 $0x1400, s5;
	[dreg:$0x3] =	wrdreg s17  }
0x10: {  	s7 =	sadd.s32 s16, s1;
	s19 =	sor.u32 $0x1000, s5;
	[dreg:$0x4] =	wrdreg s18  }
0x11: {  	s20 =	sor.u32 $0xC00, s5;
	s22 =	sor.u32 $0x800, s5;
	[dreg:$0x5] =	wrdreg s19  }
0x12: {  	s24 =	sor.u32 $0x400, s5;
	s26 =	sor.u32 $0x1C00, s5;
	[dreg:$0x6] =	wrdreg s20  }
0x13: {  	s16 =	simm.s32 $0x14400;
	s1 =	simm.s32 $0xF;
	[dreg:$0x7] =	wrdreg s22  }
0x14: {  	s0 =	simm.s32 $0x10;
	s5 =	simm.s32 $0x0;
	[dreg:$0x8] =	wrdreg s24  }
0x15: {  	s28 =	sadd.s32 $0xC00, s7;
	[dreg:$0xa] =	wrdreg s26;
	s17 =	simm.s32 $0x1  }
0x16: {  	s18 =	simm.s32 $0x2;
	s19 =	simm.s32 $0x3;
	s20 =	simm.s32 $0x4  }
0x17: {  	s22 =	simm.s32 $0x6;
	s24 =	simm.s32 $0x8;
	[dreg:$0xb] =	wrdreg s28  }
.LBB2_1:
0x18: {  	s6 =	rddreg [dreg:$0xb];
	s28 =	simm.s32 $0x11  }
0x19: {  	[tilespmem:s3], [sflag:$0x11] =	stream.linear.gather [hbm4b:s6+s3], $0x6400, $0x38;
	[tilespmem:$0x16400] =	vst v63  }
0x1a: {  	p0 =	por $0x1, $0x1;
	_ =	swait.ge [sflag:s28], $0x6400  }
0x1b: {  	p0 =	por p0, p0;
	[sflag:s28] =	ssyncset.done $0x0  }
0x1c: {  	s6 =	simm.s32 @!p0 $0x9;
	[sflag:s28] =	ssyncadd.s32 $0xFFFF9C00  }
0x1d: {  	_ =	swait.ge @!p0 [sflag:s6], $0x2000  }
0x1e: {  	[sflag:s6] =	ssyncset.done @!p0 $0x0  }
0x1f: {  	[sflag:s6] =	ssyncadd.s32 @!p0 $0xFFFFE000;
	s6 =	simm.s32 @!p0 $0xA  }
0x20: {  	_ =	swait.ge @!p0 [sflag:s6], $0x2000  }
0x21: {  	[sflag:s6] =	ssyncset.done @!p0 $0x0  }
0x22: {  	[sflag:s6] =	ssyncadd.s32 @!p0 $0xFFFFE000;
	s6 =	simm.s32 @!p0 $0xB  }
0x23: {  	_ =	swait.ge @!p0 [sflag:s6], $0x2000  }
0x24: {  	[sflag:s6] =	ssyncset.done @!p0 $0x0  }
0x25: {  	[sflag:s6] =	ssyncadd.s32 @!p0 $0xFFFFE000;
	s6 =	simm.s32 @!p0 $0xC  }
0x26: {  	_ =	swait.ge @!p0 [sflag:s6], $0x2000  }
0x27: {  	[sflag:s6] =	ssyncset.done @!p0 $0x0  }
0x28: {  	[sflag:s6] =	ssyncadd.s32 @!p0 $0xFFFFE000;
	s6 =	simm.s32 @!p0 $0xD  }
0x29: {  	_ =	swait.ge @!p0 [sflag:s6], $0x2000  }
0x2a: {  	[sflag:s6] =	ssyncset.done @!p0 $0x0  }
0x2b: {  	[sflag:s6] =	ssyncadd.s32 @!p0 $0xFFFFE000;
	s6 =	simm.s32 @!p0 $0xE  }
0x2c: {  	_ =	swait.ge @!p0 [sflag:s6], $0x2000  }
0x2d: {  	[sflag:s6] =	ssyncset.done @!p0 $0x0  }
0x2e: {  	[sflag:s6] =	ssyncadd.s32 @!p0 $0xFFFFE000;
	s6 =	simm.s32 @!p0 $0xF  }
0x2f: {  	_ =	swait.ge @!p0 [sflag:s6], $0x2000  }
0x30: {  	[sflag:s6] =	ssyncset.done @!p0 $0x0  }
0x31: {  	[sflag:s6] =	ssyncadd.s32 @!p0 $0xFFFFE000;
	s6 =	simm.s32 @!p0 $0x10  }
0x32: {  	_ =	swait.ge @!p0 [sflag:s6], $0x2000  }
0x33: {  	[sflag:s6] =	ssyncset.done @!p0 $0x0  }
0x34: {  	s7 =	simm.s32 $0x0;
	[sflag:s6] =	ssyncadd.s32 @!p0 $0xFFFFE000  }
0x35: {  	[tilespmem:s9], [sflag:$0x1] =	stream.indirect.gather [hbm4b:s4+s8], $0x40, s7, s8, $0xb8;
	[tilespmem:$0x16400] =	vst v63  }
0x36: {  	s25 =	simm.s32 $0x80  }
0x37: {  	[tilespmem:s10], [sflag:$0x2] =	stream.indirect.gather [hbm4b:s4+s8], $0x40, s25, s8, $0xb8;
	[tilespmem:$0x16400] =	vst v63  }
0x38: {  	s26 =	simm.s32 $0x100  }
0x39: {  	[tilespmem:s11], [sflag:$0x3] =	stream.indirect.gather [hbm4b:s4+s8], $0x40, s26, s8, $0xb8;
	[tilespmem:$0x16400] =	vst v63  }
0x3a: {  	s28 =	simm.s32 $0x180  }
0x3b: {  	[tilespmem:s12], [sflag:$0x4] =	stream.indirect.gather [hbm4b:s4+s8], $0x40, s28, s8, $0xb8;
	[tilespmem:$0x16400] =	vst v63  }
0x3c: {  	s7 =	simm.s32 $0x200  }
0x3d: {  	[tilespmem:s13], [sflag:$0x5] =	stream.indirect.gather [hbm4b:s4+s8], $0x40, s7, s8, $0xb8;
	[tilespmem:$0x16400] =	vst v63  }
0x3e: {  	s25 =	simm.s32 $0x280  }
0x3f: {  	[tilespmem:s14], [sflag:$0x6] =	stream.indirect.gather [hbm4b:s4+s8], $0x40, s25, s8, $0xb8;
	[tilespmem:$0x16400] =	vst v63  }
0x40: {  	s26 =	simm.s32 $0x300  }
0x41: {  	[tilespmem:s15], [sflag:$0x7] =	stream.indirect.gather [hbm4b:s4+s8], $0x40, s26, s8, $0xb8;
	[tilespmem:$0x16400] =	vst v63  }
0x42: {  	s28 =	simm.s32 $0x380  }
0x43: {  	[tilespmem:s16], [sflag:$0x8] =	stream.indirect.gather [hbm4b:s4+s8], $0x40, s28, s8, $0xb8;
	[tilespmem:$0x16400] =	vst v63  }
0x44: {  	_ =	swait.ge [sflag:s17], $0x2000  }
0x45: {  	s7 =	rddreg [dreg:$0x9];
	[sflag:s17] =	ssyncset.done $0x0  }
0x46: {  	[sflag:s17] =	ssyncadd.s32 $0xFFFFE000;
	s6 =	sadd.s32 s2, s7  }
0x47: {  	[hbm4b:s6+s3] =	stream.linear.scatter [tilespmem:s9], [sflag:$0x9], $0x2000, $0x38;
	[tilespmem:$0x16400] =	vst v63  }
0x48: {  	_ =	swait.ge [sflag:s18], $0x2000  }
0x49: {  	s25 =	rddreg [dreg:$0x8];
	[sflag:s18] =	ssyncset.done $0x0  }
0x4a: {  	[sflag:s18] =	ssyncadd.s32 $0xFFFFE000;
	s6 =	sadd.s32 s2, s25  }
0x4b: {  	[hbm4b:s6+s3] =	stream.linear.scatter [tilespmem:s10], [sflag:$0xA], $0x2000, $0x38;
	[tilespmem:$0x16400] =	vst v63  }
0x4c: {  	_ =	swait.ge [sflag:s19], $0x2000  }
0x4d: {  	s26 =	rddreg [dreg:$0x7];
	[sflag:s19] =	ssyncset.done $0x0  }
0x4e: {  	[sflag:s19] =	ssyncadd.s32 $0xFFFFE000;
	s6 =	sadd.s32 s2, s26  }
0x4f: {  	[hbm4b:s6+s3] =	stream.linear.scatter [tilespmem:s11], [sflag:$0xB], $0x2000, $0x38;
	[tilespmem:$0x16400] =	vst v63  }
0x50: {  	_ =	swait.ge [sflag:s20], $0x2000  }
0x51: {  	s28 =	rddreg [dreg:$0x6];
	[sflag:s20] =	ssyncset.done $0x0  }
0x52: {  	[sflag:s20] =	ssyncadd.s32 $0xFFFFE000;
	s6 =	sadd.s32 s2, s28  }
0x53: {  	[hbm4b:s6+s3] =	stream.linear.scatter [tilespmem:s12], [sflag:$0xC], $0x2000, $0x38;
	[tilespmem:$0x16400] =	vst v63  }
0x54: {  	_ =	swait.ge [sflag:s21], $0x2000  }
0x55: {  	s7 =	rddreg [dreg:$0x5];
	[sflag:s21] =	ssyncset.done $0x0  }
0x56: {  	[sflag:s21] =	ssyncadd.s32 $0xFFFFE000;
	s6 =	sadd.s32 s2, s7  }
0x57: {  	[hbm4b:s6+s3] =	stream.linear.scatter [tilespmem:s13], [sflag:$0xD], $0x2000, $0x38;
	[tilespmem:$0x16400] =	vst v63  }
0x58: {  	_ =	swait.ge [sflag:s22], $0x2000  }
0x59: {  	s25 =	rddreg [dreg:$0x4];
	[sflag:s22] =	ssyncset.done $0x0  }
0x5a: {  	[sflag:s22] =	ssyncadd.s32 $0xFFFFE000;
	s6 =	sadd.s32 s2, s25  }
0x5b: {  	[hbm4b:s6+s3] =	stream.linear.scatter [tilespmem:s14], [sflag:$0xE], $0x2000, $0x38;
	[tilespmem:$0x16400] =	vst v63  }
0x5c: {  	_ =	swait.ge [sflag:s23], $0x2000  }
0x5d: {  	s26 =	rddreg [dreg:$0x3];
	[sflag:s23] =	ssyncset.done $0x0  }
0x5e: {  	p6 =	por $0x0, $0x0;
	[sflag:s23] =	ssyncadd.s32 $0xFFFFE000;
	s6 =	sadd.s32 s2, s26  }
0x5f: {  	[hbm4b:s6+s3] =	stream.linear.scatter [tilespmem:s15], [sflag:$0xF], $0x2000, $0x38;
	[tilespmem:$0x16400] =	vst v63  }
0x60: {  	p0 =	por p6, p6;
	s7 =	simm.s32 $0x1000;
	_ =	swait.ge [sflag:s24], $0x2000  }
0x61: {  	s25 =	simm.s32 $0x2000;
	s28 =	rddreg [dreg:$0xa];
	[sflag:s24] =	ssyncset.done $0x0  }
0x62: {  	s6 =	sadd.s32 $0x2000, s2;
	[sflag:s24] =	ssyncadd.s32 $0xFFFFE000;
	s26 =	sadd.s32 s2, s28  }
.LBB2_2:
0x63: {  	[hbm4b:s26+s3] =	stream.linear.scatter [tilespmem:s16], [sflag:$0x10], $0x2000, $0x38;
	[tilespmem:$0x16400] =	vst v63  }
0x64: {  	s28 =	simm.s32 @!p0 $0x9  }
0x65: {  	_ =	swait.ge @!p0 [sflag:s28], $0x2000  }
0x66: {  	[sflag:s28] =	ssyncset.done @!p0 $0x0  }
0x67: {  	[sflag:s28] =	ssyncadd.s32 @!p0 $0xFFFFE000;
	s28 =	simm.s32 @!p0 $0xA  }
0x68: {  	_ =	swait.ge @!p0 [sflag:s28], $0x2000  }
0x69: {  	[sflag:s28] =	ssyncset.done @!p0 $0x0  }
0x6a: {  	[sflag:s28] =	ssyncadd.s32 @!p0 $0xFFFFE000;
	s28 =	simm.s32 @!p0 $0xB  }
0x6b: {  	_ =	swait.ge @!p0 [sflag:s28], $0x2000  }
0x6c: {  	[sflag:s28] =	ssyncset.done @!p0 $0x0  }
0x6d: {  	[sflag:s28] =	ssyncadd.s32 @!p0 $0xFFFFE000;
	s28 =	simm.s32 @!p0 $0xC  }
0x6e: {  	_ =	swait.ge @!p0 [sflag:s28], $0x2000  }
0x6f: {  	[sflag:s28] =	ssyncset.done @!p0 $0x0  }
0x70: {  	[sflag:s28] =	ssyncadd.s32 @!p0 $0xFFFFE000;
	s28 =	simm.s32 @!p0 $0xD  }
0x71: {  	_ =	swait.ge @!p0 [sflag:s28], $0x2000  }
0x72: {  	[sflag:s28] =	ssyncset.done @!p0 $0x0  }
0x73: {  	[sflag:s28] =	ssyncadd.s32 @!p0 $0xFFFFE000;
	s28 =	simm.s32 @!p0 $0xE  }
0x74: {  	_ =	swait.ge @!p0 [sflag:s28], $0x2000  }
0x75: {  	[sflag:s28] =	ssyncset.done @!p0 $0x0  }
0x76: {  	[sflag:s28] =	ssyncadd.s32 @!p0 $0xFFFFE000;
	s28 =	simm.s32 @!p0 $0xF  }
0x77: {  	_ =	swait.ge @!p0 [sflag:s28], $0x2000  }
0x78: {  	[sflag:s28] =	ssyncset.done @!p0 $0x0  }
0x79: {  	[sflag:s28] =	ssyncadd.s32 @!p0 $0xFFFFE000;
	s28 =	simm.s32 @!p0 $0x10  }
0x7a: {  	_ =	swait.ge @!p0 [sflag:s28], $0x2000  }
0x7b: {  	[sflag:s28] =	ssyncset.done @!p0 $0x0  }
0x7c: {  	s26 =	smov.u32 s25;
	[sflag:s28] =	ssyncadd.s32 @!p0 $0xFFFFE000;
	s28 =	sshra.s32 s7, $0x2  }
0x7d: {  	[tilespmem:s9], [sflag:$0x1] =	stream.indirect.gather [hbm4b:s4+s8], $0x40, s28, s8, $0xb8;
	[tilespmem:$0x16400] =	vst v63  }
0x7e: {  	p2 =	seq.s32 s26, $0x0;
	s7 =	smov.u32 s26;
	s26 =	sadd.s32 $0x80, s28  }
0x7f: {  	[tilespmem:s10], [sflag:$0x2] =	stream.indirect.gather [hbm4b:s4+s8], $0x40, s26, s8, $0xb8;
	[tilespmem:$0x16400] =	vst v63  }
0x80: {  	s26 =	sadd.s32 $0x100, s28  }
0x81: {  	[tilespmem:s11], [sflag:$0x3] =	stream.indirect.gather [hbm4b:s4+s8], $0x40, s26, s8, $0xb8;
	[tilespmem:$0x16400] =	vst v63  }
0x82: {  	s26 =	sadd.s32 $0x180, s28  }
0x83: {  	[tilespmem:s12], [sflag:$0x4] =	stream.indirect.gather [hbm4b:s4+s8], $0x40, s26, s8, $0xb8;
	[tilespmem:$0x16400] =	vst v63  }
0x84: {  	s26 =	sadd.s32 $0x200, s28  }
0x85: {  	[tilespmem:s13], [sflag:$0x5] =	stream.indirect.gather [hbm4b:s4+s8], $0x40, s26, s8, $0xb8;
	[tilespmem:$0x16400] =	vst v63  }
0x86: {  	s26 =	sadd.s32 $0x280, s28  }
0x87: {  	[tilespmem:s14], [sflag:$0x6] =	stream.indirect.gather [hbm4b:s4+s8], $0x40, s26, s8, $0xb8;
	[tilespmem:$0x16400] =	vst v63  }
0x88: {  	s26 =	sadd.s32 $0x300, s28  }
0x89: {  	[tilespmem:s15], [sflag:$0x7] =	stream.indirect.gather [hbm4b:s4+s8], $0x40, s26, s8, $0xb8;
	[tilespmem:$0x16400] =	vst v63  }
0x8a: {  	s28 =	sadd.s32 $0x380, s28  }
0x8b: {  	[tilespmem:s16], [sflag:$0x8] =	stream.indirect.gather [hbm4b:s4+s8], $0x40, s28, s8, $0xb8;
	[tilespmem:$0x16400] =	vst v63  }
0x8c: {  	_ =	swait.ge [sflag:s17], $0x2000  }
0x8d: {  	s28 =	rddreg [dreg:$0x9];
	[sflag:s17] =	ssyncset.done $0x0  }
0x8e: {  	[sflag:s17] =	ssyncadd.s32 $0xFFFFE000;
	s26 =	sadd.s32 s6, s28  }
0x8f: {  	[hbm4b:s26+s3] =	stream.linear.scatter [tilespmem:s9], [sflag:$0x9], $0x2000, $0x38;
	[tilespmem:$0x16400] =	vst v63  }
0x90: {  	_ =	swait.ge [sflag:s18], $0x2000  }
0x91: {  	s28 =	rddreg [dreg:$0x8];
	[sflag:s18] =	ssyncset.done $0x0  }
0x92: {  	[sflag:s18] =	ssyncadd.s32 $0xFFFFE000;
	s26 =	sadd.s32 s6, s28  }
0x93: {  	[hbm4b:s26+s3] =	stream.linear.scatter [tilespmem:s10], [sflag:$0xA], $0x2000, $0x38;
	[tilespmem:$0x16400] =	vst v63  }
0x94: {  	_ =	swait.ge [sflag:s19], $0x2000  }
0x95: {  	s28 =	rddreg [dreg:$0x7];
	[sflag:s19] =	ssyncset.done $0x0  }
0x96: {  	[sflag:s19] =	ssyncadd.s32 $0xFFFFE000;
	s26 =	sadd.s32 s6, s28  }
0x97: {  	[hbm4b:s26+s3] =	stream.linear.scatter [tilespmem:s11], [sflag:$0xB], $0x2000, $0x38;
	[tilespmem:$0x16400] =	vst v63  }
0x98: {  	_ =	swait.ge [sflag:s20], $0x2000  }
0x99: {  	s28 =	rddreg [dreg:$0x6];
	[sflag:s20] =	ssyncset.done $0x0  }
0x9a: {  	[sflag:s20] =	ssyncadd.s32 $0xFFFFE000;
	s26 =	sadd.s32 s6, s28  }
0x9b: {  	[hbm4b:s26+s3] =	stream.linear.scatter [tilespmem:s12], [sflag:$0xC], $0x2000, $0x38;
	[tilespmem:$0x16400] =	vst v63  }
0x9c: {  	_ =	swait.ge [sflag:s21], $0x2000  }
0x9d: {  	s28 =	rddreg [dreg:$0x5];
	[sflag:s21] =	ssyncset.done $0x0  }
0x9e: {  	[sflag:s21] =	ssyncadd.s32 $0xFFFFE000;
	s26 =	sadd.s32 s6, s28  }
0x9f: {  	[hbm4b:s26+s3] =	stream.linear.scatter [tilespmem:s13], [sflag:$0xD], $0x2000, $0x38;
	[tilespmem:$0x16400] =	vst v63  }
0xa0: {  	_ =	swait.ge [sflag:s22], $0x2000  }
0xa1: {  	s28 =	rddreg [dreg:$0x4];
	[sflag:s22] =	ssyncset.done $0x0  }
0xa2: {  	[sflag:s22] =	ssyncadd.s32 $0xFFFFE000;
	s26 =	sadd.s32 s6, s28  }
0xa3: {  	[hbm4b:s26+s3] =	stream.linear.scatter [tilespmem:s14], [sflag:$0xE], $0x2000, $0x38;
	[tilespmem:$0x16400] =	vst v63  }
0xa4: {  	s25 =	sadd.s32 $0x1000, s25;
	_ =	swait.ge [sflag:s23], $0x2000  }
0xa5: {  	p1 =	sne.s32 s25, $0x19000;
	s28 =	rddreg [dreg:$0x3];
	[sflag:s23] =	ssyncset.done $0x0  }
.Ltmp0:
0xa6: {  	[sflag:s23] =	ssyncadd.s32 $0xFFFFE000;
	s26 =	sadd.s32 s6, s28;
	(pc) =	sbr.rel @p1 .LBB2_2-.Ltmp0, $4  }
0xa7: {  	[hbm4b:s26+s3] =	stream.linear.scatter [tilespmem:s15], [sflag:$0xF], $0x2000, $0x38;
	[tilespmem:$0x16400] =	vst v63  }
0xa8: {  	_ =	swait.ge [sflag:s24], $0x2000  }
0xa9: {  	p0 =	por p2, p2;
	[sflag:s24] =	ssyncset.done $0x0;
	s28 =	rddreg [dreg:$0xa]  }
0xaa: {  	[sflag:s24] =	ssyncadd.s32 $0xFFFFE000;
	s26 =	sadd.s32 s6, s28;
	s6 =	sadd.s32 $0x2000, s6  }
0xab: {  	[hbm4b:s26+s3] =	stream.linear.scatter [tilespmem:s16], [sflag:$0x10], $0x2000, $0x38;
	[tilespmem:$0x16400] =	vst v63  }
0xac: {  	s25 =	simm.s32 @!p0 $0x9  }
0xad: {  	_ =	swait.ge @!p0 [sflag:s25], $0x2000  }
0xae: {  	[sflag:s25] =	ssyncset.done @!p0 $0x0  }
0xaf: {  	[sflag:s25] =	ssyncadd.s32 @!p0 $0xFFFFE000;
	s25 =	simm.s32 @!p0 $0xA  }
0xb0: {  	_ =	swait.ge @!p0 [sflag:s25], $0x2000  }
0xb1: {  	[sflag:s25] =	ssyncset.done @!p0 $0x0  }
0xb2: {  	[sflag:s25] =	ssyncadd.s32 @!p0 $0xFFFFE000;
	s25 =	simm.s32 @!p0 $0xB  }
0xb3: {  	_ =	swait.ge @!p0 [sflag:s25], $0x2000  }
0xb4: {  	[sflag:s25] =	ssyncset.done @!p0 $0x0  }
0xb5: {  	[sflag:s25] =	ssyncadd.s32 @!p0 $0xFFFFE000;
	s25 =	simm.s32 @!p0 $0xC  }
0xb6: {  	_ =	swait.ge @!p0 [sflag:s25], $0x2000  }
0xb7: {  	[sflag:s25] =	ssyncset.done @!p0 $0x0  }
0xb8: {  	[sflag:s25] =	ssyncadd.s32 @!p0 $0xFFFFE000;
	s25 =	simm.s32 @!p0 $0xD  }
0xb9: {  	_ =	swait.ge @!p0 [sflag:s25], $0x2000  }
0xba: {  	[sflag:s25] =	ssyncset.done @!p0 $0x0  }
0xbb: {  	[sflag:s25] =	ssyncadd.s32 @!p0 $0xFFFFE000;
	s25 =	simm.s32 @!p0 $0xE  }
0xbc: {  	_ =	swait.ge @!p0 [sflag:s25], $0x2000  }
0xbd: {  	[sflag:s25] =	ssyncset.done @!p0 $0x0  }
0xbe: {  	[sflag:s25] =	ssyncadd.s32 @!p0 $0xFFFFE000;
	s25 =	simm.s32 @!p0 $0xF  }
0xbf: {  	_ =	swait.ge @!p0 [sflag:s25], $0x2000  }
0xc0: {  	[sflag:s25] =	ssyncset.done @!p0 $0x0  }
0xc1: {  	[sflag:s25] =	ssyncadd.s32 @!p0 $0xFFFFE000;
	s25 =	simm.s32 @!p0 $0x10  }
0xc2: {  	_ =	swait.ge @!p0 [sflag:s25], $0x2000  }
0xc3: {  	[sflag:s25] =	ssyncset.done @!p0 $0x0  }
0xc4: {  	s7 =	sshra.s32 s7, $0x2;
	[sflag:s25] =	ssyncadd.s32 @!p0 $0xFFFFE000  }
0xc5: {  	[tilespmem:s9], [sflag:$0x1] =	stream.indirect.gather [hbm4b:s4+s8], $0x40, s7, s8, $0xb8;
	[tilespmem:$0x16400] =	vst v63  }
0xc6: {  	s26 =	sadd.s32 $0x80, s7  }
0xc7: {  	[tilespmem:s10], [sflag:$0x2] =	stream.indirect.gather [hbm4b:s4+s8], $0x40, s26, s8, $0xb8;
	[tilespmem:$0x16400] =	vst v63  }
0xc8: {  	s28 =	sadd.s32 $0x100, s7  }
0xc9: {  	[tilespmem:s11], [sflag:$0x3] =	stream.indirect.gather [hbm4b:s4+s8], $0x40, s28, s8, $0xb8;
	[tilespmem:$0x16400] =	vst v63  }
0xca: {  	s26 =	sadd.s32 $0x180, s7  }
0xcb: {  	[tilespmem:s12], [sflag:$0x4] =	stream.indirect.gather [hbm4b:s4+s8], $0x40, s26, s8, $0xb8;
	[tilespmem:$0x16400] =	vst v63  }
0xcc: {  	s28 =	sadd.s32 $0x200, s7  }
0xcd: {  	[tilespmem:s13], [sflag:$0x5] =	stream.indirect.gather [hbm4b:s4+s8], $0x40, s28, s8, $0xb8;
	[tilespmem:$0x16400] =	vst v63  }
0xce: {  	s26 =	sadd.s32 $0x280, s7  }
0xcf: {  	[tilespmem:s14], [sflag:$0x6] =	stream.indirect.gather [hbm4b:s4+s8], $0x40, s26, s8, $0xb8;
	[tilespmem:$0x16400] =	vst v63  }
0xd0: {  	s28 =	sadd.s32 $0x300, s7  }
0xd1: {  	[tilespmem:s15], [sflag:$0x7] =	stream.indirect.gather [hbm4b:s4+s8], $0x40, s28, s8, $0xb8;
	[tilespmem:$0x16400] =	vst v63  }
0xd2: {  	s7 =	sadd.s32 $0x380, s7  }
0xd3: {  	[tilespmem:s16], [sflag:$0x8] =	stream.indirect.gather [hbm4b:s4+s8], $0x40, s7, s8, $0xb8;
	[tilespmem:$0x16400] =	vst v63  }
0xd4: {  	_ =	swait.ge [sflag:s17], $0x2000  }
0xd5: {  	s25 =	rddreg [dreg:$0x9];
	[sflag:s17] =	ssyncset.done $0x0  }
0xd6: {  	[sflag:s17] =	ssyncadd.s32 $0xFFFFE000;
	s7 =	sadd.s32 s6, s25  }
0xd7: {  	[hbm4b:s7+s3] =	stream.linear.scatter [tilespmem:s9], [sflag:$0x9], $0x2000, $0x38;
	[tilespmem:$0x16400] =	vst v63  }
0xd8: {  	_ =	swait.ge [sflag:s18], $0x2000  }
0xd9: {  	s26 =	rddreg [dreg:$0x8];
	[sflag:s18] =	ssyncset.done $0x0  }
0xda: {  	[sflag:s18] =	ssyncadd.s32 $0xFFFFE000;
	s7 =	sadd.s32 s6, s26  }
0xdb: {  	[hbm4b:s7+s3] =	stream.linear.scatter [tilespmem:s10], [sflag:$0xA], $0x2000, $0x38;
	[tilespmem:$0x16400] =	vst v63  }
0xdc: {  	_ =	swait.ge [sflag:s19], $0x2000  }
0xdd: {  	s28 =	rddreg [dreg:$0x7];
	[sflag:s19] =	ssyncset.done $0x0  }
0xde: {  	[sflag:s19] =	ssyncadd.s32 $0xFFFFE000;
	s7 =	sadd.s32 s6, s28  }
0xdf: {  	[hbm4b:s7+s3] =	stream.linear.scatter [tilespmem:s11], [sflag:$0xB], $0x2000, $0x38;
	[tilespmem:$0x16400] =	vst v63  }
0xe0: {  	_ =	swait.ge [sflag:s20], $0x2000  }
0xe1: {  	s25 =	rddreg [dreg:$0x6];
	[sflag:s20] =	ssyncset.done $0x0  }
0xe2: {  	[sflag:s20] =	ssyncadd.s32 $0xFFFFE000;
	s7 =	sadd.s32 s6, s25  }
0xe3: {  	[hbm4b:s7+s3] =	stream.linear.scatter [tilespmem:s12], [sflag:$0xC], $0x2000, $0x38;
	[tilespmem:$0x16400] =	vst v63  }
0xe4: {  	_ =	swait.ge [sflag:s21], $0x2000  }
0xe5: {  	s26 =	rddreg [dreg:$0x5];
	[sflag:s21] =	ssyncset.done $0x0  }
0xe6: {  	[sflag:s21] =	ssyncadd.s32 $0xFFFFE000;
	s7 =	sadd.s32 s6, s26  }
0xe7: {  	[hbm4b:s7+s3] =	stream.linear.scatter [tilespmem:s13], [sflag:$0xD], $0x2000, $0x38;
	[tilespmem:$0x16400] =	vst v63  }
0xe8: {  	_ =	swait.ge [sflag:s22], $0x2000  }
0xe9: {  	s28 =	rddreg [dreg:$0x4];
	[sflag:s22] =	ssyncset.done $0x0  }
0xea: {  	[sflag:s22] =	ssyncadd.s32 $0xFFFFE000;
	s7 =	sadd.s32 s6, s28  }
0xeb: {  	[hbm4b:s7+s3] =	stream.linear.scatter [tilespmem:s14], [sflag:$0xE], $0x2000, $0x38;
	[tilespmem:$0x16400] =	vst v63  }
0xec: {  	_ =	swait.ge [sflag:s23], $0x2000  }
0xed: {  	s25 =	rddreg [dreg:$0x3];
	[sflag:s23] =	ssyncset.done $0x0  }
0xee: {  	[sflag:s23] =	ssyncadd.s32 $0xFFFFE000;
	s7 =	sadd.s32 s6, s25  }
0xef: {  	[hbm4b:s7+s3] =	stream.linear.scatter [tilespmem:s15], [sflag:$0xF], $0x2000, $0x38;
	[tilespmem:$0x16400] =	vst v63  }
0xf0: {  	_ =	swait.ge [sflag:s24], $0x2000  }
0xf1: {  	s26 =	rddreg [dreg:$0xa];
	[sflag:s24] =	ssyncset.done $0x0  }
0xf2: {  	s7 =	simm.s32 $0x9;
	s28 =	sadd.s32 s6, s26;
	[sflag:s24] =	ssyncadd.s32 $0xFFFFE000  }
0xf3: {  	[hbm4b:s28+s3] =	stream.linear.scatter [tilespmem:s16], [sflag:$0x10], $0x2000, $0x38;
	[tilespmem:$0x16400] =	vst v63  }
0xf4: {  	_ =	swait.ge [sflag:s7], $0x2000  }
0xf5: {  	[sflag:s7] =	ssyncset.done $0x0  }
0xf6: {  	s25 =	simm.s32 $0xA;
	[sflag:s7] =	ssyncadd.s32 $0xFFFFE000  }
0xf7: {  	_ =	swait.ge [sflag:s25], $0x2000  }
0xf8: {  	[sflag:s25] =	ssyncset.done $0x0  }
0xf9: {  	s26 =	simm.s32 $0xB;
	[sflag:s25] =	ssyncadd.s32 $0xFFFFE000  }
0xfa: {  	_ =	swait.ge [sflag:s26], $0x2000  }
0xfb: {  	[sflag:s26] =	ssyncset.done $0x0  }
0xfc: {  	[sflag:s26] =	ssyncadd.s32 $0xFFFFE000  }
0xfd: {  	_ =	swait.ge [sflag:s29], $0x2000  }
0xfe: {  	[sflag:s29] =	ssyncset.done $0x0  }
0xff: {  	[sflag:s29] =	ssyncadd.s32 $0xFFFFE000  }
0x100: {  	_ =	swait.ge [sflag:s30], $0x2000  }
0x101: {  	[sflag:s30] =	ssyncset.done $0x0  }
0x102: {  	[sflag:s30] =	ssyncadd.s32 $0xFFFFE000  }
0x103: {  	_ =	swait.ge [sflag:s31], $0x2000  }
0x104: {  	[sflag:s31] =	ssyncset.done $0x0  }
0x105: {  	[sflag:s31] =	ssyncadd.s32 $0xFFFFE000  }
0x106: {  	_ =	swait.ge [sflag:s1], $0x2000  }
0x107: {  	[sflag:s1] =	ssyncset.done $0x0  }
0x108: {  	[sflag:s1] =	ssyncadd.s32 $0xFFFFE000  }
0x109: {  	_ =	swait.ge [sflag:s0], $0x2000  }
0x10a: {  	s5 =	sadd.s32 $0x1, s5;
	s28 =	rddreg [dreg:$0xc]  }
0x10b: {  	p0 =	sne.s32 s5, s28  }
.Ltmp1:
0x10c: {  	_ = 	snop;
	(pc) =	sbr.rel @p0 .LBB2_1-.Ltmp1, $3  }
0x10d: {  	_ =	sdelay $0x1  }
0x10e: {  	[sflag:s0] =	ssyncset.done $0x0  }
0x10f: {  	[sflag:s0] =	ssyncadd.s32 $0xFFFFE000  }
0x110: {  	_ =	sfence.sel $0x180000  }
0x111: {  	[bflag:$0x0] =	sbarrier.arrive $0xFFFF  }
0x112: {  	_ =	strace $0x90000047  }
0x113: {  	s0 =	stileid.u32;
	[bflag:$0x2] =	sbarrier.arrive $0xFFFF  }
0x114: {  	p0 =	sne.s32 s0, $0x0;
	s0 =	rddreg [dreg:$0x2]  }
0x115: {  	s0 =	sadd.s32 @!p0 $0x100000, s0  }
0x116: {  	[sflag:s0] =	ssyncadd.tile.s32 @!p0 $0x1;
	_ =	shalt  }
.Lfunc_end2:
_tile_overlayer_lowered:
.L_overlay_start_2:
0x117: {  	(tag) =	ssettag $0x2  }
0x118: {  	s0 =	rddreg [dreg:$0x0];
	s2 =	stileid.u32  }
0x119: {  	s1 =	rddreg [dreg:$0x1];
	p0 =	sne.s32 s2, $0x0  }
0x11a: {  	s3 =	rddreg [dreg:$0x2];
	[bflag:$0x3] =	sbarrier.arrive $0xFFFF;
	s2 =	simm.s32 @!p0 $0x1C11  }
0x11b: {  	[timem:s3], [sflag:s2] =	dma.local @!p0 [hbm:s0], s1  }
0x11c: {  	s0 =	simm.s32 @!p0 $0x11  }
0x11d: {  	_ =	swait.ge @!p0 [sflag:s0], s1  }
0x11e: {  	s1 =	ssub.s32 @!p0 $0x0, s1;
	[sflag:s0] =	ssyncset.done @!p0 $0x0  }
0x11f: {  	[sflag:s0] =	ssyncadd.s32 @!p0 s1  }
0x120: {  	[bflag:$0x3] =	sbarrier.arrive $0xFFFF  }
0x121: {  	_ =	shalt  }

// kernel: sparse-core-data-format-call.cloned.1.call-start
scs
called_computation_lowered:
.L_overlay_start_0:
0x0: {  	s2 =	sld [smem:$0x3FD9]  }
0x1: {  	s3 =	sld [smem:$0x3FFE];
	_ =	sdelay $0x1  }
0x2: {  	s1 =	srdreg.scid  }
0x3: {  	s0 =	sand.u32 $0x1, s1  }
0x4: {  	s18 =	sshll.u32 s0, $0xA;
	s2 =	sadd.s32 s3, s2  }
0x5: {  	s2 =	sadd.s32 s2, s18  }
0x6: {  	[smem:$0x3FC5] =	sst s2  }
0x7: {  	_ = 	snop  }
0x8: {  	s2 =	sld [smem:$0x3FD0];
	(tm) =	ssettm $0x1  }
0x9: {  	s19 =	sld [smem:$0x3FFB];
	_ =	sdelay $0x3  }
0xa: {  	_ =	strace s19  }
0xb: {  	s3 =	sld [smem:$0x3FFC];
	_ =	sdelay $0x3  }
0xc: {  	_ =	strace s3  }
0xd: {  	s3 =	sld [smem:$0x3FFD];
	_ =	sdelay $0x3  }
0xe: {  	_ =	strace s3  }
0xf: {  	_ =	strace $0x8FFFFFFF  }
0x10: {  	s20 =	sld [smem:$0x3FDB];
	_ =	sdelay $0x1  }
0x11: {  	s4 =	simm.s32 $_scs_section_size  }
0x12: {  	s5 =	simm.s32 $_size__tile_overlayer_lowered;
	s6 =	simm.s32 $_tile_overlayer_lowered  }
0x13: {  	s23 =	simm.s32 $0x1BFF;
	s22 =	sshll.u32 s6, $0x1;
	s3 =	sadd.s32 s4, s20  }
0x14: {  	s7 =	simm.s32 $0x0;
	s21 =	sshll.u32 s5, $0x1;
	s5 =	sadd.s32 s22, s3  }
0x15: {  	[timem:s7], [sflag:s23] =	dma.local [hbm:s5], s21  }
0x16: {  	_ =	swait.ge [sflag:s23], s21  }
0x17: {  	s4 =	ssub.s32 $0x0, s21;
	[sflag:s23] =	ssyncset.done $0x0  }
0x18: {  	[sflag:s23] =	ssyncadd.s32 s4;
	_ =	sdelay $0x1  }
0x19: {  	s24 =	simm.s32 $0x1B8B  }
0x1a: {  	_ =	swait.ge [sflag:s24], $0x1  }
0x1b: {  	[sflag:s24] =	ssyncset.done $0x0  }
0x1c: {  	s26 =	simm.s32 $0x1B8E;
	s25 =	sld [smem:$0x3FFE];
	[sflag:s24] =	ssyncadd.s32 $0xFFFFFFFF  }
0x1d: {  	s27 =	simm.s32 $execute0_lowered;
	[smem:$0x3FD2] =	sst s26  }
0x1e: {  	s5 =	sshll.u32 s27, $0x1;
	_ =	strace $0x80000049;
	[dreg:$0x1] =	wrdreg $0xFFFFFFFF  }
0x1f: {  	s28 =	simm.s32 $_size_execute0_lowered;
	s3 =	sadd.s32 s3, s5;
	[dreg:$0x0] =	wrdreg $0x0  }
0x20: {  	s5 =	sshll.u32 s28, $0x1;
	[dreg:$0x2] =	wrdreg s3  }
0x21: {  	[dreg:$0x3] =	wrdreg s5  }
0x22: {  	[dreg:$0x4] =	wrdreg $0xC0  }
0x23: {  	_ =	task [dreg:s7], $0x5FFFF  }
0x24: {  	[dreg:$0x1] =	wrdreg $0xFFFFFFFF  }
0x25: {  	[dreg:$0x0] =	wrdreg $0x60  }
0x26: {  	[dreg:$0x2] =	wrdreg s25  }
0x27: {  	[dreg:$0x3] =	wrdreg s2  }
0x28: {  	[dreg:$0x4] =	wrdreg $0x9  }
0x29: {  	_ =	task.clear_ibuf [dreg:s7], $0x5FFFF;
	_ =	strace $0x90000049  }
0x2a: {  	s29 =	simm.s32 $0x9;
	_ =	strace $0x8000004B  }
0x2b: {  	_ =	swait.ge [sflag:s29], $0x1  }
0x2c: {  	[sflag:s29] =	ssyncadd.s32 $0xFFFFFFFF  }
0x2d: {  	_ =	strace $0x9000004B  }
0x2e: {  	_ =	sfence  }
0x2f: {  	s30 =	sld [smem:$0x0];
	_ =	sdelay $0x2  }
0x30: {  	s31 =	sshll.u32 s1, $0xD;
	s1 =	sshrl.u32 s1, $0x2  }
0x31: {  	s3 =	sand.u32 $0x4000, s31;
	s1 =	sadd.s32 s1, s30  }
0x32: {  	s0 =	sor.u32 s3, s0;
	s1 =	sshll.u32 s1, $0x11  }
0x33: {  	s0 =	sor.u32 s1, s0  }
0x34: {  	s0 =	sadd.s32 $0x8F2B, s0  }
0x35: {  	[sflag:s0] =	ssyncadd.remote.s32 $0x1  }
0x36: {  	_ =	sfence.sel $0xFFFF  }
0x37: {  	[dreg:$0x0] =	wrdreg $0xFFFFFFFF;
	(pc) =	sbr.abs _section_cstart, $3  }
0x38: {  	[dreg:$0x1] =	wrdreg $0xFFFFFFFF  }
0x39: {  	_ =	task.clear_ibuf [dreg:s7], $0x2FFFF;
	_ =	strace $0x9FFFFFFF  }
0x3a: {  	(tm) =	ssettm $0x7FFFFFFF  }
0x3b: {  	_ =	shalt  }
tec
execute0_lowered:
.L_overlay_start_1:
0x0: {  	(tag) =	ssettag $0x1  }
0x1: {  	s0 =	srdreg.scid  }
0x2: {  	s1 =	sshll.u32 s0, $0x4  }
0x3: {  	s0 =	stileid.u32;
	s1 =	sand.u32 $0x10, s1  }
0x4: {  	s1 =	sor.u32 s0, s1  }
0x5: {  	s6 =	rddreg [dreg:$0x0];
	s4 =	simm.s32 $0x1;
	s2 =	sshll.u32 s1, $0x7  }
0x6: {  	s7 =	simm.s32 $0x2;
	s12 =	simm.s32 $0x0;
	s1 =	ssub.s32 $0x1000, s2  }
0x7: {  	s8 =	simm.s32 $0x8000;
	s13 =	simm.s32 $0x0;
	s3 =	sand.u32 $0xF80, s1  }
0x8: {  	s9 =	simm.s32 $0x0;
	s5 =	sshrl.u32 s1, $0xC;
	p0 =	sne.s32 s3, $0x0  }
.Ltmp0:
0x9: {  	s1 =	rddreg [dreg:$0x2];
	s4 =	simm.s32 @!p0 $0x0;
	(pc) =	sbr.rel .LBB1_1-.Ltmp0, $4  }
0xa: {  	s11 =	simm.s32 $0x0;
	s3 =	rddreg [dreg:$0x1];
	s5 =	sadd.s32 s4, s5  }
0xb: {  	_ =	strace $0x8000004A;
	s4 =	simm.s32 $0x1;
	s5 =	smul.u32 $0xC8, s5  }
0xc: {  	s6 =	sadd.s32 $0xC00, s6;
	s10 =	smov.u32 s2;
	[sflag:s4] =	ssyncpa.u1 $0x0  }
0xd: {  	p0 =	por $0x0, $0x0;
	[sflag:s7] =	ssyncpa.u1 $0x0;
	s7 =	sor.u32 $0x1, s5  }
.LBB1_4:
0xe: {  	s16 =	sshll.u32 s13, $0x3;
	s17 =	sand.u32 $0x78, s13  }
0xf: {  	s30 =	sand.u32 $0x7E00, s13;
	s12 =	sshll.u32 s12, $0xF;
	s16 =	sand.u32 $0xC00, s16  }
0x10: {  	[tilespmem:s15+$0x810 ss:$0x81] =	vst.msk $0xffff, v2;
	s31 =	sand.u32 $0x7, s13;
	s16 =	sor.u32 s17, s16;
	s17 =	sadd.s32 s3, s30  }
0x11: {  	[tilespmem:s15+$0x1020 ss:$0x81] =	vst.msk $0xffff, v0;
	s13 =	sshll.u32 s31, $0x12;
	s12 =	sadd.s32 s12, s17;
	s16 =	sshrl.u32 s16, $0x3  }
0x12: {  	[tilespmem:s15+$0x0 ss:$0x81] =	vst.msk $0xffff, v1;
	s13 =	sor.u32 $0x400, s13;
	s12 =	sadd.s32 s16, s12  }
0x13: {  	[hbm4b:s12+s13] =	stream.strided.scatter [tilespmem:s14], [sflag:$0x2], $0x2000, s8, s13, $0x20;
	[tilespmem:$0x8080] =	vst v63  }
.LBB1_5:
0x14: {  	s14 =	sadd.s32 $0x1, s9  }
0x15: {  	s12 =	sadd.s32 $0x1000, s10;
	s16 =	smov.u32 s10;
	p2 =	sgt.s32 s14, $0xC7  }
0x16: {  	s16 =	smov.u32 @p2 s12  }
0x17: {  	s14 =	simm.s32 @p2 $0x0;
	p2 =	sgt.s32 s16, $0xFFF  }
0x18: {  	s16 =	smov.u32 @p2 s2;
	p2 =	sne.s32 s11, s7  }
.Ltmp1:
0x19: {  	p1 =	slt.u32 s11, $0x2;
	(pc) =	sbr.rel @!p2 .LBB1_6-.Ltmp1, $4  }
0x1a: {  	s15 =	simm.s32 @!p1 $0x2  }
0x1b: {  	s13 =	smov.u32 s10;
	p0 =	por !p0, !p0;
	_ =	swait.ge @!p1 [sflag:s15], $0x2000  }
0x1c: {  	s12 =	smov.u32 s9;
	[sflag:s15] =	ssyncset.done @!p1 $0x0;
	s9 =	smov.u32 s14  }
0x1d: {  	s11 =	sadd.s32 $0x1, s11;
	[sflag:s15] =	ssyncadd.s32 @!p1 $0xFFFFE000;
	s10 =	smov.u32 s16  }
.LBB1_1:
0x1e: {  	p1 =	sge.u32 s11, s5  }
0x1f: {  	s14 =	sand.u32 @!p1 $0x1FFFFFF, s9  }
0x20: {  	s15 =	smulhi.u32 @!p1 $0x147AE15, s14;
	_ =	sdelay $0x1  }
0x21: {  	s15 =	smul.u32 @!p1 $0xC8, s15  }
0x22: {  	s16 =	sxor.u32 @!p1 $0xFFFFFFFF, s11;
	s17 =	smul.u32 @!p1 $0xC80, s10  }
0x23: {  	s31 =	sadd.s32 $0xFFFFFFFF, s11;
	s16 =	sshll.u32 @!p1 s16, $0xD;
	s14 =	ssub.s32 @!p1 s14, s15  }
0x24: {  	s15 =	sand.u32 @!p1 $0x2000, s16;
	s16 =	sadd.s32 @!p1 s6, s17;
	s14 =	sshll.u32 @!p1 s14, $0x4  }
0x25: {  	s17 =	simm.s32 @!p1 $0x6400;
	s14 =	sadd.s32 @!p1 s14, s16;
	s16 =	simm.s32 @!p1 $0x40  }
0x26: {  	[tilespmem:s15], [sflag:$0x1] =	stream.strided.gather @!p1 [hbm4b:s14+s16], $0x2000, s17, s16, $0x38;
	[tilespmem:$0x8080] =	vst v63  }
0x27: {  	p1 =	sge.u32 s31, s5  }
.Ltmp2:
0x28: {  	_ = 	snop;
	(pc) =	sbr.rel @p1 .LBB1_5-.Ltmp2, $1  }
0x29: {  	_ =	sdelay $0x3  }
0x2a: {  	s14 =	simm.s32 $0x1  }
0x2b: {  	_ =	swait.ge [sflag:s4], $0x2000;
	s14 =	simm.s32 @!p0 $0x0  }
0x2c: {  	[sflag:s4] =	ssyncset.done $0x0;
	s15 =	sshll.u32 s14, $0xD  }
0x2d: {  	[sflag:s4] =	ssyncadd.s32 $0xFFFFE000;
	s18 =	sor.u32 $0x20, s15  }
0x2e: {  	s14 =	smul.u32 $0x8100, s14;
	v3 =	vld [tilespmem:s18+$0x10]  }
0x2f: {  	s30 =	sand.u32 $0x1, s11;
	v2 =	vld [tilespmem:s18+$0xFFFFFFF0]  }
0x30: {  	s15 =	smul.u32 $0x8100, s30;
	s14 =	sshrl.u32 s14, $0x2;
	v0 =	vld [tilespmem:s18+$0x0]  }
0x31: {  	v1 =	vld [tilespmem:s18+$0xFFFFFFE0];
	s16 =	sor.u32 $0x4000, s14  }
0x32: {  	s31 =	sshrl.u32 s15, $0x2;
	s15 =	sadd.s32 $0x0, s16  }
0x33: {  	s17 =	simm.s32 $0x4;
	s18 =	sadd.s32 $0x40, s18;
	s14 =	sor.u32 $0x4000, s31;
	[tilespmem:s15+$0x1830 ss:$0x81] =	vst.msk $0xffff, v3  }
.LBB1_3:
0x34: {  	v3 =	vld [tilespmem:s18+$0x10];
	p1 =	sne.s32 s17, $0x1FC;
	[tilespmem:s15+$0x810 ss:$0x81] =	vst.msk $0xffff, v2;
	s19 =	smov.u32 s17;
	s17 =	sadd.s32 $0x4, s17  }
.Ltmp3:
0x35: {  	v2 =	vld [tilespmem:s18+$0xFFFFFFF0];
	[tilespmem:s15+$0x1020 ss:$0x81] =	vst.msk $0xffff, v0;
	(pc) =	sbr.rel @p1 .LBB1_3-.Ltmp3, $4  }
0x36: {  	v0 =	vld [tilespmem:s18+$0x0];
	[tilespmem:s15+$0x0 ss:$0x81] =	vst.msk $0xffff, v1  }
0x37: {  	s15 =	sshra.s32 s19, $0x2;
	v1 =	vld [tilespmem:s18+$0xFFFFFFE0]  }
0x38: {  	s15 =	sadd.s32 s15, s16  }
0x39: {  	s18 =	sadd.s32 $0x40, s18;
	[tilespmem:s15+$0x1830 ss:$0x81] =	vst.msk $0xffff, v3  }
.Ltmp4:
0x3a: {  	_ = 	snop;
	(pc) =	sbr.rel .LBB1_4-.Ltmp4, $1  }
0x3b: {  	_ =	sdelay $0x3  }
.LBB1_6:
0x3c: {  	_ =	sfence.sel $0x180000  }
0x3d: {  	s2 =	simm.s32 $0x1;
	[bflag:$0x0] =	sbarrier.arrive $0xFFFF  }
0x3e: {  	s31 =	simm.s32 $0x2;
	[sflag:s2] =	ssyncpa.u1 $0x1  }
0x3f: {  	[sflag:s31] =	ssyncpa.u1 $0x1  }
0x40: {  	p0 =	sne.s32 s0, $0x0;
	_ =	strace $0x9000004A  }
0x41: {  	s0 =	sadd.s32 @!p0 $0x100000, s1;
	[bflag:$0x2] =	sbarrier.arrive $0xFFFF  }
0x42: {  	[sflag:s0] =	ssyncadd.tile.s32 @!p0 $0x1;
	_ =	shalt  }
.Lfunc_end1:
_tile_overlayer_lowered:
.L_overlay_start_2:
0x43: {  	(tag) =	ssettag $0x2  }
0x44: {  	s0 =	rddreg [dreg:$0x0];
	s2 =	stileid.u32  }
0x45: {  	s1 =	rddreg [dreg:$0x1];
	p0 =	sne.s32 s2, $0x0  }
0x46: {  	s3 =	rddreg [dreg:$0x2];
	[bflag:$0x3] =	sbarrier.arrive $0xFFFF;
	s2 =	simm.s32 @!p0 $0x1C01  }
0x47: {  	[timem:s3], [sflag:s2] =	dma.local @!p0 [hbm:s0], s1  }
0x48: {  	s0 =	simm.s32 @!p0 $0x1  }
0x49: {  	_ =	swait.ge @!p0 [sflag:s0], s1  }
0x4a: {  	s1 =	ssub.s32 @!p0 $0x0, s1;
	[sflag:s0] =	ssyncset.done @!p0 $0x0  }
0x4b: {  	[sflag:s0] =	ssyncadd.s32 @!p0 s1  }
0x4c: {  	[bflag:$0x3] =	sbarrier.arrive $0xFFFF  }
0x4d: {  	_ =	shalt  }

</sc_bundles>
